<compile_context>
chip_gen: v7x
topology: tpu7x:2x2x1
jax: 0.10.2.dev20260603
libtpu: 0.0.44.dev20260713+nightly
codegen_flags: <defaults>
</compile_context>

<pallas_src>
import jax
import jax.numpy as jnp
from jax.experimental import pallas as pl
from jax.experimental.pallas import tpu as pltpu

EPS = 1e-05

LANE_CHUNK = 1024

IN_SCALE = 1.0000001
OUT_SCALE = 1.0000001


def _block_stats(ref, lo):
    C = ref.shape[1]
    w = slice(lo, lo + LANE_CHUNK)
    v = ref[0, 0:8, w]
    s = v
    q = v * v
    for k in range(1, C // 8):
        v = ref[0, 8 * k : 8 * k + 8, w]
        s = s + v
        q = q + v * v
    ssum = jnp.sum(s, axis=0, keepdims=True)
    ssumsq = jnp.sum(q, axis=0, keepdims=True)
    return ssum, ssumsq


def _spe_kernel(ord_ref, src_ref, xs_ref, xn_ref, out_ref):
    C = xn_ref.shape[1]
    HW = xn_ref.shape[2]

    for lo in range(0, HW, LANE_CHUNK):
        w = slice(lo, lo + LANE_CHUNK)
        sum_n, sumsq_n = _block_stats(xn_ref, lo)
        sum_s, sumsq_s = _block_stats(xs_ref, lo)

        mean_n = sum_n * (1.0 / C)
        var_n = (sumsq_n - sum_n * mean_n) * (1.0 / (C - 1))
        mean_s = sum_s * (1.0 / C)
        var_s = (sumsq_s - sum_s * mean_s) * (1.0 / (C - 1))

        ratio = jnp.sqrt((var_n + EPS) / (var_s + EPS))
        offset = mean_n - mean_s * ratio

        r_adj = ratio * (1.0 / (IN_SCALE * OUT_SCALE))
        o_adj = offset * (1.0 / (IN_SCALE * OUT_SCALE))

        for k in range(C // 8):
            sl = slice(8 * k, 8 * k + 8)
            out_ref[0, sl, w] = xs_ref[0, sl, w] * r_adj + o_adj


def kernel(x, idx_swap):
    N, C, H, W = x.shape
    HW = H * W
    xv = x.reshape(N, C, HW) * jnp.float32(IN_SCALE)

    order = jnp.argsort(idx_swap).astype(jnp.int32)
    src = jnp.take(idx_swap, order)

    grid_spec = pltpu.PrefetchScalarGridSpec(
        num_scalar_prefetch=2,
        grid=(N,),
        in_specs=[
            pl.BlockSpec((1, C, HW), lambda i, o, s: (s[i], 0, 0)),
            pl.BlockSpec((1, C, HW), lambda i, o, s: (o[i], 0, 0)),
        ],
        out_specs=pl.BlockSpec((1, C, HW), lambda i, o, s: (o[i], 0, 0)),
    )

    out = pl.pallas_call(
        _spe_kernel,
        grid_spec=grid_spec,
        out_shape=jax.ShapeDtypeStruct((N, C, HW), jnp.float32),
    )(order, src, xv, xv)
    return out.reshape(N, C, H, W) * jnp.float32(OUT_SCALE)

# --- scband reference (transcript-rebuilt; emitter-appended) ---
"""Pipeline reference for scband-spe-randomization-31026843746561 (READ-ONLY COPY).

The authoritative reference and input builder live on the scoring server;
editing this copy changes nothing except your own understanding.
"""

import jax, jax.numpy as jnp
import numpy as np

EPS = 1e-05


def setup_inputs(seed: int = 0) -> dict:
    key = jax.random.key(seed)
    k1, k2 = jax.random.split(key)
    x = jax.random.normal(k1, (64, 128, 64, 64), dtype=jnp.float32)
    idx_swap = jax.random.randint(k2, (64,), 0, 64, dtype=jnp.int32)
    return {"x": x, "idx_swap": idx_swap}


def reference(x, idx_swap):
    # Module is constructed with training=True (torch default), so the
    # spectral-randomization branch with y=None executes.
    N, C, H, W = x.shape
    xv = x.reshape(N, C, H * W)
    mean = jnp.mean(xv, axis=1, keepdims=True)            # mean over channel dim
    var = jnp.var(xv, axis=1, keepdims=True, ddof=1)      # torch .var is unbiased
    xn = (xv - mean) / jnp.sqrt(var + EPS)
    # x = x[idx_swap].detach()  -> gather on batch dim + stop_gradient
    xs = jax.lax.stop_gradient(jnp.take(xn, idx_swap, axis=0))
    out = xs * jnp.sqrt(var + EPS) + mean
    return out.reshape(N, C, H, W)

if __name__ == "__main__":
    import jax
    _d = setup_inputs()
    print(jax.jit(kernel)(*tuple(_d.values())))

</pallas_src>

<mosaic_0001>
module attributes {stable_mosaic.version = 14 : i64} {
  func.func @_spe_kernel(%arg0: i32, %arg1: memref<64xi32, #tpu.memory_space<smem>>, %arg2: memref<64xi32, #tpu.memory_space<smem>>, %arg3: memref<1x128x4096xf32, #tpu.memory_space<vmem>>, %arg4: memref<1x128x4096xf32, #tpu.memory_space<vmem>>, %arg5: memref<1x128x4096xf32, #tpu.memory_space<vmem>>) attributes {dimension_semantics = [#tpu.dimension_semantics<arbitrary>], iteration_bounds = array<i64: 64>, scalar_prefetch = 2 : i64, scratch_operands = 0 : i64, tpu.core_type = #tpu.core_type<tc>, window_params = [{transform_indices = @transform_0, window_bounds = array<i64: 1, 128, 4096>}, {transform_indices = @transform_1, window_bounds = array<i64: 1, 128, 4096>}, {transform_indices = @transform_2, window_bounds = array<i64: 1, 128, 4096>}]} {
    %get3A = arith.constant 0 : index
    %get3A_0 = arith.constant 0 : index
    %get3A_1 = arith.constant 0 : index
    %get3A_2 = vector.load %arg4[%get3A, %get3A_0, %get3A_1] : memref<1x128x4096xf32, #tpu.memory_space<vmem>>, vector<1x8x1024xf32>
    %get3A_3 = vector.shape_cast %get3A_2 : vector<1x8x1024xf32> to vector<8x1024xf32>
    %mul3A = arith.mulf %get3A_3, %get3A_3 : vector<8x1024xf32>
    %get3A_4 = arith.constant 0 : index
    %get3A_5 = arith.constant 8 : index
    %get3A_6 = arith.constant 0 : index
    %get3A_7 = vector.load %arg4[%get3A_4, %get3A_5, %get3A_6] : memref<1x128x4096xf32, #tpu.memory_space<vmem>>, vector<1x8x1024xf32>
    %get3A_8 = vector.shape_cast %get3A_7 : vector<1x8x1024xf32> to vector<8x1024xf32>
    %add3A = arith.addf %get3A_3, %get3A_8 : vector<8x1024xf32>
    %mul3A_9 = arith.mulf %get3A_8, %get3A_8 : vector<8x1024xf32>
    %add3A_10 = arith.addf %mul3A, %mul3A_9 : vector<8x1024xf32>
    %get3A_11 = arith.constant 0 : index
    %get3A_12 = arith.constant 16 : index
    %get3A_13 = arith.constant 0 : index
    %get3A_14 = vector.load %arg4[%get3A_11, %get3A_12, %get3A_13] : memref<1x128x4096xf32, #tpu.memory_space<vmem>>, vector<1x8x1024xf32>
    %get3A_15 = vector.shape_cast %get3A_14 : vector<1x8x1024xf32> to vector<8x1024xf32>
    %add3A_16 = arith.addf %add3A, %get3A_15 : vector<8x1024xf32>
    %mul3A_17 = arith.mulf %get3A_15, %get3A_15 : vector<8x1024xf32>
    %add3A_18 = arith.addf %add3A_10, %mul3A_17 : vector<8x1024xf32>
    %get3A_19 = arith.constant 0 : index
    %get3A_20 = arith.constant 24 : index
    %get3A_21 = arith.constant 0 : index
    %get3A_22 = vector.load %arg4[%get3A_19, %get3A_20, %get3A_21] : memref<1x128x4096xf32, #tpu.memory_space<vmem>>, vector<1x8x1024xf32>
    %get3A_23 = vector.shape_cast %get3A_22 : vector<1x8x1024xf32> to vector<8x1024xf32>
    %add3A_24 = arith.addf %add3A_16, %get3A_23 : vector<8x1024xf32>
    %mul3A_25 = arith.mulf %get3A_23, %get3A_23 : vector<8x1024xf32>
    %add3A_26 = arith.addf %add3A_18, %mul3A_25 : vector<8x1024xf32>
    %get3A_27 = arith.constant 0 : index
    %get3A_28 = arith.constant 32 : index
    %get3A_29 = arith.constant 0 : index
    %get3A_30 = vector.load %arg4[%get3A_27, %get3A_28, %get3A_29] : memref<1x128x4096xf32, #tpu.memory_space<vmem>>, vector<1x8x1024xf32>
    %get3A_31 = vector.shape_cast %get3A_30 : vector<1x8x1024xf32> to vector<8x1024xf32>
    %add3A_32 = arith.addf %add3A_24, %get3A_31 : vector<8x1024xf32>
    %mul3A_33 = arith.mulf %get3A_31, %get3A_31 : vector<8x1024xf32>
    %add3A_34 = arith.addf %add3A_26, %mul3A_33 : vector<8x1024xf32>
    %get3A_35 = arith.constant 0 : index
    %get3A_36 = arith.constant 40 : index
    %get3A_37 = arith.constant 0 : index
    %get3A_38 = vector.load %arg4[%get3A_35, %get3A_36, %get3A_37] : memref<1x128x4096xf32, #tpu.memory_space<vmem>>, vector<1x8x1024xf32>
    %get3A_39 = vector.shape_cast %get3A_38 : vector<1x8x1024xf32> to vector<8x1024xf32>
    %add3A_40 = arith.addf %add3A_32, %get3A_39 : vector<8x1024xf32>
    %mul3A_41 = arith.mulf %get3A_39, %get3A_39 : vector<8x1024xf32>
    %add3A_42 = arith.addf %add3A_34, %mul3A_41 : vector<8x1024xf32>
    %get3A_43 = arith.constant 0 : index
    %get3A_44 = arith.constant 48 : index
    %get3A_45 = arith.constant 0 : index
    %get3A_46 = vector.load %arg4[%get3A_43, %get3A_44, %get3A_45] : memref<1x128x4096xf32, #tpu.memory_space<vmem>>, vector<1x8x1024xf32>
    %get3A_47 = vector.shape_cast %get3A_46 : vector<1x8x1024xf32> to vector<8x1024xf32>
    %add3A_48 = arith.addf %add3A_40, %get3A_47 : vector<8x1024xf32>
    %mul3A_49 = arith.mulf %get3A_47, %get3A_47 : vector<8x1024xf32>
    %add3A_50 = arith.addf %add3A_42, %mul3A_49 : vector<8x1024xf32>
    %get3A_51 = arith.constant 0 : index
    %get3A_52 = arith.constant 56 : index
    %get3A_53 = arith.constant 0 : index
    %get3A_54 = vector.load %arg4[%get3A_51, %get3A_52, %get3A_53] : memref<1x128x4096xf32, #tpu.memory_space<vmem>>, vector<1x8x1024xf32>
    %get3A_55 = vector.shape_cast %get3A_54 : vector<1x8x1024xf32> to vector<8x1024xf32>
    %add3A_56 = arith.addf %add3A_48, %get3A_55 : vector<8x1024xf32>
    %mul3A_57 = arith.mulf %get3A_55, %get3A_55 : vector<8x1024xf32>
    %add3A_58 = arith.addf %add3A_50, %mul3A_57 : vector<8x1024xf32>
    %get3A_59 = arith.constant 0 : index
    %get3A_60 = arith.constant 64 : index
    %get3A_61 = arith.constant 0 : index
    %get3A_62 = vector.load %arg4[%get3A_59, %get3A_60, %get3A_61] : memref<1x128x4096xf32, #tpu.memory_space<vmem>>, vector<1x8x1024xf32>
    %get3A_63 = vector.shape_cast %get3A_62 : vector<1x8x1024xf32> to vector<8x1024xf32>
    %add3A_64 = arith.addf %add3A_56, %get3A_63 : vector<8x1024xf32>
    %mul3A_65 = arith.mulf %get3A_63, %get3A_63 : vector<8x1024xf32>
    %add3A_66 = arith.addf %add3A_58, %mul3A_65 : vector<8x1024xf32>
    %get3A_67 = arith.constant 0 : index
    %get3A_68 = arith.constant 72 : index
    %get3A_69 = arith.constant 0 : index
    %get3A_70 = vector.load %arg4[%get3A_67, %get3A_68, %get3A_69] : memref<1x128x4096xf32, #tpu.memory_space<vmem>>, vector<1x8x1024xf32>
    %get3A_71 = vector.shape_cast %get3A_70 : vector<1x8x1024xf32> to vector<8x1024xf32>
    %add3A_72 = arith.addf %add3A_64, %get3A_71 : vector<8x1024xf32>
    %mul3A_73 = arith.mulf %get3A_71, %get3A_71 : vector<8x1024xf32>
    %add3A_74 = arith.addf %add3A_66, %mul3A_73 : vector<8x1024xf32>
    %get3A_75 = arith.constant 0 : index
    %get3A_76 = arith.constant 80 : index
    %get3A_77 = arith.constant 0 : index
    %get3A_78 = vector.load %arg4[%get3A_75, %get3A_76, %get3A_77] : memref<1x128x4096xf32, #tpu.memory_space<vmem>>, vector<1x8x1024xf32>
    %get3A_79 = vector.shape_cast %get3A_78 : vector<1x8x1024xf32> to vector<8x1024xf32>
    %add3A_80 = arith.addf %add3A_72, %get3A_79 : vector<8x1024xf32>
    %mul3A_81 = arith.mulf %get3A_79, %get3A_79 : vector<8x1024xf32>
    %add3A_82 = arith.addf %add3A_74, %mul3A_81 : vector<8x1024xf32>
    %get3A_83 = arith.constant 0 : index
    %get3A_84 = arith.constant 88 : index
    %get3A_85 = arith.constant 0 : index
    %get3A_86 = vector.load %arg4[%get3A_83, %get3A_84, %get3A_85] : memref<1x128x4096xf32, #tpu.memory_space<vmem>>, vector<1x8x1024xf32>
    %get3A_87 = vector.shape_cast %get3A_86 : vector<1x8x1024xf32> to vector<8x1024xf32>
    %add3A_88 = arith.addf %add3A_80, %get3A_87 : vector<8x1024xf32>
    %mul3A_89 = arith.mulf %get3A_87, %get3A_87 : vector<8x1024xf32>
    %add3A_90 = arith.addf %add3A_82, %mul3A_89 : vector<8x1024xf32>
    %get3A_91 = arith.constant 0 : index
    %get3A_92 = arith.constant 96 : index
    %get3A_93 = arith.constant 0 : index
    %get3A_94 = vector.load %arg4[%get3A_91, %get3A_92, %get3A_93] : memref<1x128x4096xf32, #tpu.memory_space<vmem>>, vector<1x8x1024xf32>
    %get3A_95 = vector.shape_cast %get3A_94 : vector<1x8x1024xf32> to vector<8x1024xf32>
    %add3A_96 = arith.addf %add3A_88, %get3A_95 : vector<8x1024xf32>
    %mul3A_97 = arith.mulf %get3A_95, %get3A_95 : vector<8x1024xf32>
    %add3A_98 = arith.addf %add3A_90, %mul3A_97 : vector<8x1024xf32>
    %get3A_99 = arith.constant 0 : index
    %get3A_100 = arith.constant 104 : index
    %get3A_101 = arith.constant 0 : index
    %get3A_102 = vector.load %arg4[%get3A_99, %get3A_100, %get3A_101] : memref<1x128x4096xf32, #tpu.memory_space<vmem>>, vector<1x8x1024xf32>
    %get3A_103 = vector.shape_cast %get3A_102 : vector<1x8x1024xf32> to vector<8x1024xf32>
    %add3A_104 = arith.addf %add3A_96, %get3A_103 : vector<8x1024xf32>
    %mul3A_105 = arith.mulf %get3A_103, %get3A_103 : vector<8x1024xf32>
    %add3A_106 = arith.addf %add3A_98, %mul3A_105 : vector<8x1024xf32>
    %get3A_107 = arith.constant 0 : index
    %get3A_108 = arith.constant 112 : index
    %get3A_109 = arith.constant 0 : index
    %get3A_110 = vector.load %arg4[%get3A_107, %get3A_108, %get3A_109] : memref<1x128x4096xf32, #tpu.memory_space<vmem>>, vector<1x8x1024xf32>
    %get3A_111 = vector.shape_cast %get3A_110 : vector<1x8x1024xf32> to vector<8x1024xf32>
    %add3A_112 = arith.addf %add3A_104, %get3A_111 : vector<8x1024xf32>
    %mul3A_113 = arith.mulf %get3A_111, %get3A_111 : vector<8x1024xf32>
    %add3A_114 = arith.addf %add3A_106, %mul3A_113 : vector<8x1024xf32>
    %get3A_115 = arith.constant 0 : index
    %get3A_116 = arith.constant 120 : index
    %get3A_117 = arith.constant 0 : index
    %get3A_118 = vector.load %arg4[%get3A_115, %get3A_116, %get3A_117] : memref<1x128x4096xf32, #tpu.memory_space<vmem>>, vector<1x8x1024xf32>
    %get3A_119 = vector.shape_cast %get3A_118 : vector<1x8x1024xf32> to vector<8x1024xf32>
    %add3A_120 = arith.addf %add3A_112, %get3A_119 : vector<8x1024xf32>
    %mul3A_121 = arith.mulf %get3A_119, %get3A_119 : vector<8x1024xf32>
    %add3A_122 = arith.addf %add3A_114, %mul3A_121 : vector<8x1024xf32>
    %reduce_sum3A = arith.constant dense<0.000000e+00> : vector<1024xf32>
    %reduce_sum3A_123 = vector.multi_reduction <add>, %add3A_120, %reduce_sum3A [0] : vector<8x1024xf32> to vector<1024xf32>
    %broadcast_in_dim3A = vector.shape_cast %reduce_sum3A_123 : vector<1024xf32> to vector<1x1024xf32>
    %reduce_sum3A_124 = arith.constant dense<0.000000e+00> : vector<1024xf32>
    %reduce_sum3A_125 = vector.multi_reduction <add>, %add3A_122, %reduce_sum3A_124 [0] : vector<8x1024xf32> to vector<1024xf32>
    %broadcast_in_dim3A_126 = vector.shape_cast %reduce_sum3A_125 : vector<1024xf32> to vector<1x1024xf32>
    %get3A_127 = arith.constant 0 : index
    %get3A_128 = arith.constant 0 : index
    %get3A_129 = arith.constant 0 : index
    %get3A_130 = vector.load %arg3[%get3A_127, %get3A_128, %get3A_129] : memref<1x128x4096xf32, #tpu.memory_space<vmem>>, vector<1x8x1024xf32>
    %get3A_131 = vector.shape_cast %get3A_130 : vector<1x8x1024xf32> to vector<8x1024xf32>
    %mul3A_132 = arith.mulf %get3A_131, %get3A_131 : vector<8x1024xf32>
    %get3A_133 = arith.constant 0 : index
    %get3A_134 = arith.constant 8 : index
    %get3A_135 = arith.constant 0 : index
    %get3A_136 = vector.load %arg3[%get3A_133, %get3A_134, %get3A_135] : memref<1x128x4096xf32, #tpu.memory_space<vmem>>, vector<1x8x1024xf32>
    %get3A_137 = vector.shape_cast %get3A_136 : vector<1x8x1024xf32> to vector<8x1024xf32>
    %add3A_138 = arith.addf %get3A_131, %get3A_137 : vector<8x1024xf32>
    %mul3A_139 = arith.mulf %get3A_137, %get3A_137 : vector<8x1024xf32>
    %add3A_140 = arith.addf %mul3A_132, %mul3A_139 : vector<8x1024xf32>
    %get3A_141 = arith.constant 0 : index
    %get3A_142 = arith.constant 16 : index
    %get3A_143 = arith.constant 0 : index
    %get3A_144 = vector.load %arg3[%get3A_141, %get3A_142, %get3A_143] : memref<1x128x4096xf32, #tpu.memory_space<vmem>>, vector<1x8x1024xf32>
    %get3A_145 = vector.shape_cast %get3A_144 : vector<1x8x1024xf32> to vector<8x1024xf32>
    %add3A_146 = arith.addf %add3A_138, %get3A_145 : vector<8x1024xf32>
    %mul3A_147 = arith.mulf %get3A_145, %get3A_145 : vector<8x1024xf32>
    %add3A_148 = arith.addf %add3A_140, %mul3A_147 : vector<8x1024xf32>
    %get3A_149 = arith.constant 0 : index
    %get3A_150 = arith.constant 24 : index
    %get3A_151 = arith.constant 0 : index
    %get3A_152 = vector.load %arg3[%get3A_149, %get3A_150, %get3A_151] : memref<1x128x4096xf32, #tpu.memory_space<vmem>>, vector<1x8x1024xf32>
    %get3A_153 = vector.shape_cast %get3A_152 : vector<1x8x1024xf32> to vector<8x1024xf32>
    %add3A_154 = arith.addf %add3A_146, %get3A_153 : vector<8x1024xf32>
    %mul3A_155 = arith.mulf %get3A_153, %get3A_153 : vector<8x1024xf32>
    %add3A_156 = arith.addf %add3A_148, %mul3A_155 : vector<8x1024xf32>
    %get3A_157 = arith.constant 0 : index
    %get3A_158 = arith.constant 32 : index
    %get3A_159 = arith.constant 0 : index
    %get3A_160 = vector.load %arg3[%get3A_157, %get3A_158, %get3A_159] : memref<1x128x4096xf32, #tpu.memory_space<vmem>>, vector<1x8x1024xf32>
    %get3A_161 = vector.shape_cast %get3A_160 : vector<1x8x1024xf32> to vector<8x1024xf32>
    %add3A_162 = arith.addf %add3A_154, %get3A_161 : vector<8x1024xf32>
    %mul3A_163 = arith.mulf %get3A_161, %get3A_161 : vector<8x1024xf32>
    %add3A_164 = arith.addf %add3A_156, %mul3A_163 : vector<8x1024xf32>
    %get3A_165 = arith.constant 0 : index
    %get3A_166 = arith.constant 40 : index
    %get3A_167 = arith.constant 0 : index
    %get3A_168 = vector.load %arg3[%get3A_165, %get3A_166, %get3A_167] : memref<1x128x4096xf32, #tpu.memory_space<vmem>>, vector<1x8x1024xf32>
    %get3A_169 = vector.shape_cast %get3A_168 : vector<1x8x1024xf32> to vector<8x1024xf32>
    %add3A_170 = arith.addf %add3A_162, %get3A_169 : vector<8x1024xf32>
    %mul3A_171 = arith.mulf %get3A_169, %get3A_169 : vector<8x1024xf32>
    %add3A_172 = arith.addf %add3A_164, %mul3A_171 : vector<8x1024xf32>
    %get3A_173 = arith.constant 0 : index
    %get3A_174 = arith.constant 48 : index
    %get3A_175 = arith.constant 0 : index
    %get3A_176 = vector.load %arg3[%get3A_173, %get3A_174, %get3A_175] : memref<1x128x4096xf32, #tpu.memory_space<vmem>>, vector<1x8x1024xf32>
    %get3A_177 = vector.shape_cast %get3A_176 : vector<1x8x1024xf32> to vector<8x1024xf32>
    %add3A_178 = arith.addf %add3A_170, %get3A_177 : vector<8x1024xf32>
    %mul3A_179 = arith.mulf %get3A_177, %get3A_177 : vector<8x1024xf32>
    %add3A_180 = arith.addf %add3A_172, %mul3A_179 : vector<8x1024xf32>
    %get3A_181 = arith.constant 0 : index
    %get3A_182 = arith.constant 56 : index
    %get3A_183 = arith.constant 0 : index
    %get3A_184 = vector.load %arg3[%get3A_181, %get3A_182, %get3A_183] : memref<1x128x4096xf32, #tpu.memory_space<vmem>>, vector<1x8x1024xf32>
    %get3A_185 = vector.shape_cast %get3A_184 : vector<1x8x1024xf32> to vector<8x1024xf32>
    %add3A_186 = arith.addf %add3A_178, %get3A_185 : vector<8x1024xf32>
    %mul3A_187 = arith.mulf %get3A_185, %get3A_185 : vector<8x1024xf32>
    %add3A_188 = arith.addf %add3A_180, %mul3A_187 : vector<8x1024xf32>
    %get3A_189 = arith.constant 0 : index
    %get3A_190 = arith.constant 64 : index
    %get3A_191 = arith.constant 0 : index
    %get3A_192 = vector.load %arg3[%get3A_189, %get3A_190, %get3A_191] : memref<1x128x4096xf32, #tpu.memory_space<vmem>>, vector<1x8x1024xf32>
    %get3A_193 = vector.shape_cast %get3A_192 : vector<1x8x1024xf32> to vector<8x1024xf32>
    %add3A_194 = arith.addf %add3A_186, %get3A_193 : vector<8x1024xf32>
    %mul3A_195 = arith.mulf %get3A_193, %get3A_193 : vector<8x1024xf32>
    %add3A_196 = arith.addf %add3A_188, %mul3A_195 : vector<8x1024xf32>
    %get3A_197 = arith.constant 0 : index
    %get3A_198 = arith.constant 72 : index
    %get3A_199 = arith.constant 0 : index
    %get3A_200 = vector.load %arg3[%get3A_197, %get3A_198, %get3A_199] : memref<1x128x4096xf32, #tpu.memory_space<vmem>>, vector<1x8x1024xf32>
    %get3A_201 = vector.shape_cast %get3A_200 : vector<1x8x1024xf32> to vector<8x1024xf32>
    %add3A_202 = arith.addf %add3A_194, %get3A_201 : vector<8x1024xf32>
    %mul3A_203 = arith.mulf %get3A_201, %get3A_201 : vector<8x1024xf32>
    %add3A_204 = arith.addf %add3A_196, %mul3A_203 : vector<8x1024xf32>
    %get3A_205 = arith.constant 0 : index
    %get3A_206 = arith.constant 80 : index
    %get3A_207 = arith.constant 0 : index
    %get3A_208 = vector.load %arg3[%get3A_205, %get3A_206, %get3A_207] : memref<1x128x4096xf32, #tpu.memory_space<vmem>>, vector<1x8x1024xf32>
    %get3A_209 = vector.shape_cast %get3A_208 : vector<1x8x1024xf32> to vector<8x1024xf32>
    %add3A_210 = arith.addf %add3A_202, %get3A_209 : vector<8x1024xf32>
    %mul3A_211 = arith.mulf %get3A_209, %get3A_209 : vector<8x1024xf32>
    %add3A_212 = arith.addf %add3A_204, %mul3A_211 : vector<8x1024xf32>
    %get3A_213 = arith.constant 0 : index
    %get3A_214 = arith.constant 88 : index
    %get3A_215 = arith.constant 0 : index
    %get3A_216 = vector.load %arg3[%get3A_213, %get3A_214, %get3A_215] : memref<1x128x4096xf32, #tpu.memory_space<vmem>>, vector<1x8x1024xf32>
    %get3A_217 = vector.shape_cast %get3A_216 : vector<1x8x1024xf32> to vector<8x1024xf32>
    %add3A_218 = arith.addf %add3A_210, %get3A_217 : vector<8x1024xf32>
    %mul3A_219 = arith.mulf %get3A_217, %get3A_217 : vector<8x1024xf32>
    %add3A_220 = arith.addf %add3A_212, %mul3A_219 : vector<8x1024xf32>
    %get3A_221 = arith.constant 0 : index
    %get3A_222 = arith.constant 96 : index
    %get3A_223 = arith.constant 0 : index
    %get3A_224 = vector.load %arg3[%get3A_221, %get3A_222, %get3A_223] : memref<1x128x4096xf32, #tpu.memory_space<vmem>>, vector<1x8x1024xf32>
    %get3A_225 = vector.shape_cast %get3A_224 : vector<1x8x1024xf32> to vector<8x1024xf32>
    %add3A_226 = arith.addf %add3A_218, %get3A_225 : vector<8x1024xf32>
    %mul3A_227 = arith.mulf %get3A_225, %get3A_225 : vector<8x1024xf32>
    %add3A_228 = arith.addf %add3A_220, %mul3A_227 : vector<8x1024xf32>
    %get3A_229 = arith.constant 0 : index
    %get3A_230 = arith.constant 104 : index
    %get3A_231 = arith.constant 0 : index
    %get3A_232 = vector.load %arg3[%get3A_229, %get3A_230, %get3A_231] : memref<1x128x4096xf32, #tpu.memory_space<vmem>>, vector<1x8x1024xf32>
    %get3A_233 = vector.shape_cast %get3A_232 : vector<1x8x1024xf32> to vector<8x1024xf32>
    %add3A_234 = arith.addf %add3A_226, %get3A_233 : vector<8x1024xf32>
    %mul3A_235 = arith.mulf %get3A_233, %get3A_233 : vector<8x1024xf32>
    %add3A_236 = arith.addf %add3A_228, %mul3A_235 : vector<8x1024xf32>
    %get3A_237 = arith.constant 0 : index
    %get3A_238 = arith.constant 112 : index
    %get3A_239 = arith.constant 0 : index
    %get3A_240 = vector.load %arg3[%get3A_237, %get3A_238, %get3A_239] : memref<1x128x4096xf32, #tpu.memory_space<vmem>>, vector<1x8x1024xf32>
    %get3A_241 = vector.shape_cast %get3A_240 : vector<1x8x1024xf32> to vector<8x1024xf32>
    %add3A_242 = arith.addf %add3A_234, %get3A_241 : vector<8x1024xf32>
    %mul3A_243 = arith.mulf %get3A_241, %get3A_241 : vector<8x1024xf32>
    %add3A_244 = arith.addf %add3A_236, %mul3A_243 : vector<8x1024xf32>
    %get3A_245 = arith.constant 0 : index
    %get3A_246 = arith.constant 120 : index
    %get3A_247 = arith.constant 0 : index
    %get3A_248 = vector.load %arg3[%get3A_245, %get3A_246, %get3A_247] : memref<1x128x4096xf32, #tpu.memory_space<vmem>>, vector<1x8x1024xf32>
    %get3A_249 = vector.shape_cast %get3A_248 : vector<1x8x1024xf32> to vector<8x1024xf32>
    %add3A_250 = arith.addf %add3A_242, %get3A_249 : vector<8x1024xf32>
    %mul3A_251 = arith.mulf %get3A_249, %get3A_249 : vector<8x1024xf32>
    %add3A_252 = arith.addf %add3A_244, %mul3A_251 : vector<8x1024xf32>
    %reduce_sum3A_253 = arith.constant dense<0.000000e+00> : vector<1024xf32>
    %reduce_sum3A_254 = vector.multi_reduction <add>, %add3A_250, %reduce_sum3A_253 [0] : vector<8x1024xf32> to vector<1024xf32>
    %broadcast_in_dim3A_255 = vector.shape_cast %reduce_sum3A_254 : vector<1024xf32> to vector<1x1024xf32>
    %reduce_sum3A_256 = arith.constant dense<0.000000e+00> : vector<1024xf32>
    %reduce_sum3A_257 = vector.multi_reduction <add>, %add3A_252, %reduce_sum3A_256 [0] : vector<8x1024xf32> to vector<1024xf32>
    %broadcast_in_dim3A_258 = vector.shape_cast %reduce_sum3A_257 : vector<1024xf32> to vector<1x1024xf32>
    %mul3A_259 = arith.constant 7.812500e-03 : f32
    %mul3A_260 = vector.broadcast %mul3A_259 : f32 to vector<1x1024xf32>
    %mul3A_261 = arith.mulf %broadcast_in_dim3A, %mul3A_260 : vector<1x1024xf32>
    %mul3A_262 = arith.mulf %broadcast_in_dim3A, %mul3A_261 : vector<1x1024xf32>
    %sub3A = arith.subf %broadcast_in_dim3A_126, %mul3A_262 : vector<1x1024xf32>
    %mul3A_263 = arith.constant 0.00787401571 : f32
    %mul3A_264 = vector.broadcast %mul3A_263 : f32 to vector<1x1024xf32>
    %mul3A_265 = arith.mulf %sub3A, %mul3A_264 : vector<1x1024xf32>
    %mul3A_266 = arith.constant 7.812500e-03 : f32
    %mul3A_267 = vector.broadcast %mul3A_266 : f32 to vector<1x1024xf32>
    %mul3A_268 = arith.mulf %broadcast_in_dim3A_255, %mul3A_267 : vector<1x1024xf32>
    %mul3A_269 = arith.mulf %broadcast_in_dim3A_255, %mul3A_268 : vector<1x1024xf32>
    %sub3A_270 = arith.subf %broadcast_in_dim3A_258, %mul3A_269 : vector<1x1024xf32>
    %mul3A_271 = arith.constant 0.00787401571 : f32
    %mul3A_272 = vector.broadcast %mul3A_271 : f32 to vector<1x1024xf32>
    %mul3A_273 = arith.mulf %sub3A_270, %mul3A_272 : vector<1x1024xf32>
    %add3A_274 = arith.constant 9.99999974E-6 : f32
    %add3A_275 = vector.broadcast %add3A_274 : f32 to vector<1x1024xf32>
    %add3A_276 = arith.addf %mul3A_265, %add3A_275 : vector<1x1024xf32>
    %add3A_277 = arith.constant 9.99999974E-6 : f32
    %add3A_278 = vector.broadcast %add3A_277 : f32 to vector<1x1024xf32>
    %add3A_279 = arith.addf %mul3A_273, %add3A_278 : vector<1x1024xf32>
    %div3A = arith.divf %add3A_276, %add3A_279 : vector<1x1024xf32>
    %sqrt3A = math.sqrt %div3A : vector<1x1024xf32>
    %mul3A_280 = arith.mulf %mul3A_268, %sqrt3A : vector<1x1024xf32>
    %sub3A_281 = arith.subf %mul3A_261, %mul3A_280 : vector<1x1024xf32>
    %mul3A_282 = arith.constant 0.999999821 : f32
    %mul3A_283 = vector.broadcast %mul3A_282 : f32 to vector<1x1024xf32>
    %mul3A_284 = arith.mulf %sqrt3A, %mul3A_283 : vector<1x1024xf32>
    %mul3A_285 = arith.constant 0.999999821 : f32
    %mul3A_286 = vector.broadcast %mul3A_285 : f32 to vector<1x1024xf32>
    %mul3A_287 = arith.mulf %sub3A_281, %mul3A_286 : vector<1x1024xf32>
    %get3A_288 = arith.constant 0 : index
    %get3A_289 = arith.constant 0 : index
    %get3A_290 = arith.constant 0 : index
    %get3A_291 = vector.load %arg3[%get3A_288, %get3A_289, %get3A_290] : memref<1x128x4096xf32, #tpu.memory_space<vmem>>, vector<1x8x1024xf32>
    %get3A_292 = vector.shape_cast %get3A_291 : vector<1x8x1024xf32> to vector<8x1024xf32>
    %mul3A_293 = vector.broadcast %mul3A_284 : vector<1x1024xf32> to vector<8x1024xf32>
    %mul3A_294 = arith.mulf %get3A_292, %mul3A_293 : vector<8x1024xf32>
    %add3A_295 = vector.broadcast %mul3A_287 : vector<1x1024xf32> to vector<8x1024xf32>
    %add3A_296 = arith.addf %mul3A_294, %add3A_295 : vector<8x1024xf32>
    %swap3A = arith.constant 0 : index
    %swap3A_297 = arith.constant 0 : index
    %swap3A_298 = arith.constant 0 : index
    %swap3A_299 = vector.load %arg5[%swap3A, %swap3A_297, %swap3A_298] : memref<1x128x4096xf32, #tpu.memory_space<vmem>>, vector<1x8x1024xf32>
    %swap3A_300 = vector.shape_cast %swap3A_299 : vector<1x8x1024xf32> to vector<8x1024xf32>
    %swap3A_301 = vector.shape_cast %add3A_296 : vector<8x1024xf32> to vector<1x8x1024xf32>
    tpu.vector_store %arg5[%swap3A, %swap3A_297, %swap3A_298], %swap3A_301 {strides = array<i32>} : memref<1x128x4096xf32, #tpu.memory_space<vmem>>, vector<1x8x1024xf32>,
    %get3A_302 = arith.constant 0 : index
    %get3A_303 = arith.constant 8 : index
    %get3A_304 = arith.constant 0 : index
    %get3A_305 = vector.load %arg3[%get3A_302, %get3A_303, %get3A_304] : memref<1x128x4096xf32, #tpu.memory_space<vmem>>, vector<1x8x1024xf32>
    %get3A_306 = vector.shape_cast %get3A_305 : vector<1x8x1024xf32> to vector<8x1024xf32>
    %mul3A_307 = vector.broadcast %mul3A_284 : vector<1x1024xf32> to vector<8x1024xf32>
    %mul3A_308 = arith.mulf %get3A_306, %mul3A_307 : vector<8x1024xf32>
    %add3A_309 = vector.broadcast %mul3A_287 : vector<1x1024xf32> to vector<8x1024xf32>
    %add3A_310 = arith.addf %mul3A_308, %add3A_309 : vector<8x1024xf32>
    %swap3A_311 = arith.constant 0 : index
    %swap3A_312 = arith.constant 8 : index
    %swap3A_313 = arith.constant 0 : index
    %swap3A_314 = vector.load %arg5[%swap3A_311, %swap3A_312, %swap3A_313] : memref<1x128x4096xf32, #tpu.memory_space<vmem>>, vector<1x8x1024xf32>
    %swap3A_315 = vector.shape_cast %swap3A_314 : vector<1x8x1024xf32> to vector<8x1024xf32>
    %swap3A_316 = vector.shape_cast %add3A_310 : vector<8x1024xf32> to vector<1x8x1024xf32>
    tpu.vector_store %arg5[%swap3A_311, %swap3A_312, %swap3A_313], %swap3A_316 {strides = array<i32>} : memref<1x128x4096xf32, #tpu.memory_space<vmem>>, vector<1x8x1024xf32>,
    %get3A_317 = arith.constant 0 : index
    %get3A_318 = arith.constant 16 : index
    %get3A_319 = arith.constant 0 : index
    %get3A_320 = vector.load %arg3[%get3A_317, %get3A_318, %get3A_319] : memref<1x128x4096xf32, #tpu.memory_space<vmem>>, vector<1x8x1024xf32>
    %get3A_321 = vector.shape_cast %get3A_320 : vector<1x8x1024xf32> to vector<8x1024xf32>
    %mul3A_322 = vector.broadcast %mul3A_284 : vector<1x1024xf32> to vector<8x1024xf32>
    %mul3A_323 = arith.mulf %get3A_321, %mul3A_322 : vector<8x1024xf32>
    %add3A_324 = vector.broadcast %mul3A_287 : vector<1x1024xf32> to vector<8x1024xf32>
    %add3A_325 = arith.addf %mul3A_323, %add3A_324 : vector<8x1024xf32>
    %swap3A_326 = arith.constant 0 : index
    %swap3A_327 = arith.constant 16 : index
    %swap3A_328 = arith.constant 0 : index
    %swap3A_329 = vector.load %arg5[%swap3A_326, %swap3A_327, %swap3A_328] : memref<1x128x4096xf32, #tpu.memory_space<vmem>>, vector<1x8x1024xf32>
    %swap3A_330 = vector.shape_cast %swap3A_329 : vector<1x8x1024xf32> to vector<8x1024xf32>
    %swap3A_331 = vector.shape_cast %add3A_325 : vector<8x1024xf32> to vector<1x8x1024xf32>
    tpu.vector_store %arg5[%swap3A_326, %swap3A_327, %swap3A_328], %swap3A_331 {strides = array<i32>} : memref<1x128x4096xf32, #tpu.memory_space<vmem>>, vector<1x8x1024xf32>,
    %get3A_332 = arith.constant 0 : index
    %get3A_333 = arith.constant 24 : index
    %get3A_334 = arith.constant 0 : index
    %get3A_335 = vector.load %arg3[%get3A_332, %get3A_333, %get3A_334] : memref<1x128x4096xf32, #tpu.memory_space<vmem>>, vector<1x8x1024xf32>
    %get3A_336 = vector.shape_cast %get3A_335 : vector<1x8x1024xf32> to vector<8x1024xf32>
    %mul3A_337 = vector.broadcast %mul3A_284 : vector<1x1024xf32> to vector<8x1024xf32>
    %mul3A_338 = arith.mulf %get3A_336, %mul3A_337 : vector<8x1024xf32>
    %add3A_339 = vector.broadcast %mul3A_287 : vector<1x1024xf32> to vector<8x1024xf32>
    %add3A_340 = arith.addf %mul3A_338, %add3A_339 : vector<8x1024xf32>
    %swap3A_341 = arith.constant 0 : index
    %swap3A_342 = arith.constant 24 : index
    %swap3A_343 = arith.constant 0 : index
    %swap3A_344 = vector.load %arg5[%swap3A_341, %swap3A_342, %swap3A_343] : memref<1x128x4096xf32, #tpu.memory_space<vmem>>, vector<1x8x1024xf32>
    %swap3A_345 = vector.shape_cast %swap3A_344 : vector<1x8x1024xf32> to vector<8x1024xf32>
    %swap3A_346 = vector.shape_cast %add3A_340 : vector<8x1024xf32> to vector<1x8x1024xf32>
    tpu.vector_store %arg5[%swap3A_341, %swap3A_342, %swap3A_343], %swap3A_346 {strides = array<i32>} : memref<1x128x4096xf32, #tpu.memory_space<vmem>>, vector<1x8x1024xf32>,
    %get3A_347 = arith.constant 0 : index
    %get3A_348 = arith.constant 32 : index
    %get3A_349 = arith.constant 0 : index
    %get3A_350 = vector.load %arg3[%get3A_347, %get3A_348, %get3A_349] : memref<1x128x4096xf32, #tpu.memory_space<vmem>>, vector<1x8x1024xf32>
    %get3A_351 = vector.shape_cast %get3A_350 : vector<1x8x1024xf32> to vector<8x1024xf32>
    %mul3A_352 = vector.broadcast %mul3A_284 : vector<1x1024xf32> to vector<8x1024xf32>
    %mul3A_353 = arith.mulf %get3A_351, %mul3A_352 : vector<8x1024xf32>
    %add3A_354 = vector.broadcast %mul3A_287 : vector<1x1024xf32> to vector<8x1024xf32>
    %add3A_355 = arith.addf %mul3A_353, %add3A_354 : vector<8x1024xf32>
    %swap3A_356 = arith.constant 0 : index
    %swap3A_357 = arith.constant 32 : index
    %swap3A_358 = arith.constant 0 : index
    %swap3A_359 = vector.load %arg5[%swap3A_356, %swap3A_357, %swap3A_358] : memref<1x128x4096xf32, #tpu.memory_space<vmem>>, vector<1x8x1024xf32>
    %swap3A_360 = vector.shape_cast %swap3A_359 : vector<1x8x1024xf32> to vector<8x1024xf32>
    %swap3A_361 = vector.shape_cast %add3A_355 : vector<8x1024xf32> to vector<1x8x1024xf32>
    tpu.vector_store %arg5[%swap3A_356, %swap3A_357, %swap3A_358], %swap3A_361 {strides = array<i32>} : memref<1x128x4096xf32, #tpu.memory_space<vmem>>, vector<1x8x1024xf32>,
    %get3A_362 = arith.constant 0 : index
    %get3A_363 = arith.constant 40 : index
    %get3A_364 = arith.constant 0 : index
    %get3A_365 = vector.load %arg3[%get3A_362, %get3A_363, %get3A_364] : memref<1x128x4096xf32, #tpu.memory_space<vmem>>, vector<1x8x1024xf32>
    %get3A_366 = vector.shape_cast %get3A_365 : vector<1x8x1024xf32> to vector<8x1024xf32>
    %mul3A_367 = vector.broadcast %mul3A_284 : vector<1x1024xf32> to vector<8x1024xf32>
    %mul3A_368 = arith.mulf %get3A_366, %mul3A_367 : vector<8x1024xf32>
    %add3A_369 = vector.broadcast %mul3A_287 : vector<1x1024xf32> to vector<8x1024xf32>
    %add3A_370 = arith.addf %mul3A_368, %add3A_369 : vector<8x1024xf32>
    %swap3A_371 = arith.constant 0 : index
    %swap3A_372 = arith.constant 40 : index
    %swap3A_373 = arith.constant 0 : index
    %swap3A_374 = vector.load %arg5[%swap3A_371, %swap3A_372, %swap3A_373] : memref<1x128x4096xf32, #tpu.memory_space<vmem>>, vector<1x8x1024xf32>
    %swap3A_375 = vector.shape_cast %swap3A_374 : vector<1x8x1024xf32> to vector<8x1024xf32>
    %swap3A_376 = vector.shape_cast %add3A_370 : vector<8x1024xf32> to vector<1x8x1024xf32>
    tpu.vector_store %arg5[%swap3A_371, %swap3A_372, %swap3A_373], %swap3A_376 {strides = array<i32>} : memref<1x128x4096xf32, #tpu.memory_space<vmem>>, vector<1x8x1024xf32>,
    %get3A_377 = arith.constant 0 : index
    %get3A_378 = arith.constant 48 : index
    %get3A_379 = arith.constant 0 : index
    %get3A_380 = vector.load %arg3[%get3A_377, %get3A_378, %get3A_379] : memref<1x128x4096xf32, #tpu.memory_space<vmem>>, vector<1x8x1024xf32>
    %get3A_381 = vector.shape_cast %get3A_380 : vector<1x8x1024xf32> to vector<8x1024xf32>
    %mul3A_382 = vector.broadcast %mul3A_284 : vector<1x1024xf32> to vector<8x1024xf32>
    %mul3A_383 = arith.mulf %get3A_381, %mul3A_382 : vector<8x1024xf32>
    %add3A_384 = vector.broadcast %mul3A_287 : vector<1x1024xf32> to vector<8x1024xf32>
    %add3A_385 = arith.addf %mul3A_383, %add3A_384 : vector<8x1024xf32>
    %swap3A_386 = arith.constant 0 : index
    %swap3A_387 = arith.constant 48 : index
    %swap3A_388 = arith.constant 0 : index
    %swap3A_389 = vector.load %arg5[%swap3A_386, %swap3A_387, %swap3A_388] : memref<1x128x4096xf32, #tpu.memory_space<vmem>>, vector<1x8x1024xf32>
    %swap3A_390 = vector.shape_cast %swap3A_389 : vector<1x8x1024xf32> to vector<8x1024xf32>
    %swap3A_391 = vector.shape_cast %add3A_385 : vector<8x1024xf32> to vector<1x8x1024xf32>
    tpu.vector_store %arg5[%swap3A_386, %swap3A_387, %swap3A_388], %swap3A_391 {strides = array<i32>} : memref<1x128x4096xf32, #tpu.memory_space<vmem>>, vector<1x8x1024xf32>,
    %get3A_392 = arith.constant 0 : index
    %get3A_393 = arith.constant 56 : index
    %get3A_394 = arith.constant 0 : index
    %get3A_395 = vector.load %arg3[%get3A_392, %get3A_393, %get3A_394] : memref<1x128x4096xf32, #tpu.memory_space<vmem>>, vector<1x8x1024xf32>
    %get3A_396 = vector.shape_cast %get3A_395 : vector<1x8x1024xf32> to vector<8x1024xf32>
    %mul3A_397 = vector.broadcast %mul3A_284 : vector<1x1024xf32> to vector<8x1024xf32>
    %mul3A_398 = arith.mulf %get3A_396, %mul3A_397 : vector<8x1024xf32>
    %add3A_399 = vector.broadcast %mul3A_287 : vector<1x1024xf32> to vector<8x1024xf32>
    %add3A_400 = arith.addf %mul3A_398, %add3A_399 : vector<8x1024xf32>
    %swap3A_401 = arith.constant 0 : index
    %swap3A_402 = arith.constant 56 : index
    %swap3A_403 = arith.constant 0 : index
    %swap3A_404 = vector.load %arg5[%swap3A_401, %swap3A_402, %swap3A_403] : memref<1x128x4096xf32, #tpu.memory_space<vmem>>, vector<1x8x1024xf32>
    %swap3A_405 = vector.shape_cast %swap3A_404 : vector<1x8x1024xf32> to vector<8x1024xf32>
    %swap3A_406 = vector.shape_cast %add3A_400 : vector<8x1024xf32> to vector<1x8x1024xf32>
    tpu.vector_store %arg5[%swap3A_401, %swap3A_402, %swap3A_403], %swap3A_406 {strides = array<i32>} : memref<1x128x4096xf32, #tpu.memory_space<vmem>>, vector<1x8x1024xf32>,
    %get3A_407 = arith.constant 0 : index
    %get3A_408 = arith.constant 64 : index
    %get3A_409 = arith.constant 0 : index
    %get3A_410 = vector.load %arg3[%get3A_407, %get3A_408, %get3A_409] : memref<1x128x4096xf32, #tpu.memory_space<vmem>>, vector<1x8x1024xf32>
    %get3A_411 = vector.shape_cast %get3A_410 : vector<1x8x1024xf32> to vector<8x1024xf32>
    %mul3A_412 = vector.broadcast %mul3A_284 : vector<1x1024xf32> to vector<8x1024xf32>
    %mul3A_413 = arith.mulf %get3A_411, %mul3A_412 : vector<8x1024xf32>
    %add3A_414 = vector.broadcast %mul3A_287 : vector<1x1024xf32> to vector<8x1024xf32>
    %add3A_415 = arith.addf %mul3A_413, %add3A_414 : vector<8x1024xf32>
    %swap3A_416 = arith.constant 0 : index
    %swap3A_417 = arith.constant 64 : index
    %swap3A_418 = arith.constant 0 : index
    %swap3A_419 = vector.load %arg5[%swap3A_416, %swap3A_417, %swap3A_418] : memref<1x128x4096xf32, #tpu.memory_space<vmem>>, vector<1x8x1024xf32>
    %swap3A_420 = vector.shape_cast %swap3A_419 : vector<1x8x1024xf32> to vector<8x1024xf32>
    %swap3A_421 = vector.shape_cast %add3A_415 : vector<8x1024xf32> to vector<1x8x1024xf32>
    tpu.vector_store %arg5[%swap3A_416, %swap3A_417, %swap3A_418], %swap3A_421 {strides = array<i32>} : memref<1x128x4096xf32, #tpu.memory_space<vmem>>, vector<1x8x1024xf32>,
    %get3A_422 = arith.constant 0 : index
    %get3A_423 = arith.constant 72 : index
    %get3A_424 = arith.constant 0 : index
    %get3A_425 = vector.load %arg3[%get3A_422, %get3A_423, %get3A_424] : memref<1x128x4096xf32, #tpu.memory_space<vmem>>, vector<1x8x1024xf32>
    %get3A_426 = vector.shape_cast %get3A_425 : vector<1x8x1024xf32> to vector<8x1024xf32>
    %mul3A_427 = vector.broadcast %mul3A_284 : vector<1x1024xf32> to vector<8x1024xf32>
    %mul3A_428 = arith.mulf %get3A_426, %mul3A_427 : vector<8x1024xf32>
    %add3A_429 = vector.broadcast %mul3A_287 : vector<1x1024xf32> to vector<8x1024xf32>
    %add3A_430 = arith.addf %mul3A_428, %add3A_429 : vector<8x1024xf32>
    %swap3A_431 = arith.constant 0 : index
    %swap3A_432 = arith.constant 72 : index
    %swap3A_433 = arith.constant 0 : index
    %swap3A_434 = vector.load %arg5[%swap3A_431, %swap3A_432, %swap3A_433] : memref<1x128x4096xf32, #tpu.memory_space<vmem>>, vector<1x8x1024xf32>
    %swap3A_435 = vector.shape_cast %swap3A_434 : vector<1x8x1024xf32> to vector<8x1024xf32>
    %swap3A_436 = vector.shape_cast %add3A_430 : vector<8x1024xf32> to vector<1x8x1024xf32>
    tpu.vector_store %arg5[%swap3A_431, %swap3A_432, %swap3A_433], %swap3A_436 {strides = array<i32>} : memref<1x128x4096xf32, #tpu.memory_space<vmem>>, vector<1x8x1024xf32>,
    %get3A_437 = arith.constant 0 : index
    %get3A_438 = arith.constant 80 : index
    %get3A_439 = arith.constant 0 : index
    %get3A_440 = vector.load %arg3[%get3A_437, %get3A_438, %get3A_439] : memref<1x128x4096xf32, #tpu.memory_space<vmem>>, vector<1x8x1024xf32>
    %get3A_441 = vector.shape_cast %get3A_440 : vector<1x8x1024xf32> to vector<8x1024xf32>
    %mul3A_442 = vector.broadcast %mul3A_284 : vector<1x1024xf32> to vector<8x1024xf32>
    %mul3A_443 = arith.mulf %get3A_441, %mul3A_442 : vector<8x1024xf32>
    %add3A_444 = vector.broadcast %mul3A_287 : vector<1x1024xf32> to vector<8x1024xf32>
    %add3A_445 = arith.addf %mul3A_443, %add3A_444 : vector<8x1024xf32>
    %swap3A_446 = arith.constant 0 : index
    %swap3A_447 = arith.constant 80 : index
    %swap3A_448 = arith.constant 0 : index
    %swap3A_449 = vector.load %arg5[%swap3A_446, %swap3A_447, %swap3A_448] : memref<1x128x4096xf32, #tpu.memory_space<vmem>>, vector<1x8x1024xf32>
    %swap3A_450 = vector.shape_cast %swap3A_449 : vector<1x8x1024xf32> to vector<8x1024xf32>
    %swap3A_451 = vector.shape_cast %add3A_445 : vector<8x1024xf32> to vector<1x8x1024xf32>
    tpu.vector_store %arg5[%swap3A_446, %swap3A_447, %swap3A_448], %swap3A_451 {strides = array<i32>} : memref<1x128x4096xf32, #tpu.memory_space<vmem>>, vector<1x8x1024xf32>,
    %get3A_452 = arith.constant 0 : index
    %get3A_453 = arith.constant 88 : index
    %get3A_454 = arith.constant 0 : index
    %get3A_455 = vector.load %arg3[%get3A_452, %get3A_453, %get3A_454] : memref<1x128x4096xf32, #tpu.memory_space<vmem>>, vector<1x8x1024xf32>
    %get3A_456 = vector.shape_cast %get3A_455 : vector<1x8x1024xf32> to vector<8x1024xf32>
    %mul3A_457 = vector.broadcast %mul3A_284 : vector<1x1024xf32> to vector<8x1024xf32>
    %mul3A_458 = arith.mulf %get3A_456, %mul3A_457 : vector<8x1024xf32>
    %add3A_459 = vector.broadcast %mul3A_287 : vector<1x1024xf32> to vector<8x1024xf32>
    %add3A_460 = arith.addf %mul3A_458, %add3A_459 : vector<8x1024xf32>
    %swap3A_461 = arith.constant 0 : index
    %swap3A_462 = arith.constant 88 : index
    %swap3A_463 = arith.constant 0 : index
    %swap3A_464 = vector.load %arg5[%swap3A_461, %swap3A_462, %swap3A_463] : memref<1x128x4096xf32, #tpu.memory_space<vmem>>, vector<1x8x1024xf32>
    %swap3A_465 = vector.shape_cast %swap3A_464 : vector<1x8x1024xf32> to vector<8x1024xf32>
    %swap3A_466 = vector.shape_cast %add3A_460 : vector<8x1024xf32> to vector<1x8x1024xf32>
    tpu.vector_store %arg5[%swap3A_461, %swap3A_462, %swap3A_463], %swap3A_466 {strides = array<i32>} : memref<1x128x4096xf32, #tpu.memory_space<vmem>>, vector<1x8x1024xf32>,
    %get3A_467 = arith.constant 0 : index
    %get3A_468 = arith.constant 96 : index
    %get3A_469 = arith.constant 0 : index
    %get3A_470 = vector.load %arg3[%get3A_467, %get3A_468, %get3A_469] : memref<1x128x4096xf32, #tpu.memory_space<vmem>>, vector<1x8x1024xf32>
    %get3A_471 = vector.shape_cast %get3A_470 : vector<1x8x1024xf32> to vector<8x1024xf32>
    %mul3A_472 = vector.broadcast %mul3A_284 : vector<1x1024xf32> to vector<8x1024xf32>
    %mul3A_473 = arith.mulf %get3A_471, %mul3A_472 : vector<8x1024xf32>
    %add3A_474 = vector.broadcast %mul3A_287 : vector<1x1024xf32> to vector<8x1024xf32>
    %add3A_475 = arith.addf %mul3A_473, %add3A_474 : vector<8x1024xf32>
    %swap3A_476 = arith.constant 0 : index
    %swap3A_477 = arith.constant 96 : index
    %swap3A_478 = arith.constant 0 : index
    %swap3A_479 = vector.load %arg5[%swap3A_476, %swap3A_477, %swap3A_478] : memref<1x128x4096xf32, #tpu.memory_space<vmem>>, vector<1x8x1024xf32>
    %swap3A_480 = vector.shape_cast %swap3A_479 : vector<1x8x1024xf32> to vector<8x1024xf32>
    %swap3A_481 = vector.shape_cast %add3A_475 : vector<8x1024xf32> to vector<1x8x1024xf32>
    tpu.vector_store %arg5[%swap3A_476, %swap3A_477, %swap3A_478], %swap3A_481 {strides = array<i32>} : memref<1x128x4096xf32, #tpu.memory_space<vmem>>, vector<1x8x1024xf32>,
    %get3A_482 = arith.constant 0 : index
    %get3A_483 = arith.constant 104 : index
    %get3A_484 = arith.constant 0 : index
    %get3A_485 = vector.load %arg3[%get3A_482, %get3A_483, %get3A_484] : memref<1x128x4096xf32, #tpu.memory_space<vmem>>, vector<1x8x1024xf32>
    %get3A_486 = vector.shape_cast %get3A_485 : vector<1x8x1024xf32> to vector<8x1024xf32>
    %mul3A_487 = vector.broadcast %mul3A_284 : vector<1x1024xf32> to vector<8x1024xf32>
    %mul3A_488 = arith.mulf %get3A_486, %mul3A_487 : vector<8x1024xf32>
    %add3A_489 = vector.broadcast %mul3A_287 : vector<1x1024xf32> to vector<8x1024xf32>
    %add3A_490 = arith.addf %mul3A_488, %add3A_489 : vector<8x1024xf32>
    %swap3A_491 = arith.constant 0 : index
    %swap3A_492 = arith.constant 104 : index
    %swap3A_493 = arith.constant 0 : index
    %swap3A_494 = vector.load %arg5[%swap3A_491, %swap3A_492, %swap3A_493] : memref<1x128x4096xf32, #tpu.memory_space<vmem>>, vector<1x8x1024xf32>
    %swap3A_495 = vector.shape_cast %swap3A_494 : vector<1x8x1024xf32> to vector<8x1024xf32>
    %swap3A_496 = vector.shape_cast %add3A_490 : vector<8x1024xf32> to vector<1x8x1024xf32>
    tpu.vector_store %arg5[%swap3A_491, %swap3A_492, %swap3A_493], %swap3A_496 {strides = array<i32>} : memref<1x128x4096xf32, #tpu.memory_space<vmem>>, vector<1x8x1024xf32>,
    %get3A_497 = arith.constant 0 : index
    %get3A_498 = arith.constant 112 : index
    %get3A_499 = arith.constant 0 : index
    %get3A_500 = vector.load %arg3[%get3A_497, %get3A_498, %get3A_499] : memref<1x128x4096xf32, #tpu.memory_space<vmem>>, vector<1x8x1024xf32>
    %get3A_501 = vector.shape_cast %get3A_500 : vector<1x8x1024xf32> to vector<8x1024xf32>
    %mul3A_502 = vector.broadcast %mul3A_284 : vector<1x1024xf32> to vector<8x1024xf32>
    %mul3A_503 = arith.mulf %get3A_501, %mul3A_502 : vector<8x1024xf32>
    %add3A_504 = vector.broadcast %mul3A_287 : vector<1x1024xf32> to vector<8x1024xf32>
    %add3A_505 = arith.addf %mul3A_503, %add3A_504 : vector<8x1024xf32>
    %swap3A_506 = arith.constant 0 : index
    %swap3A_507 = arith.constant 112 : index
    %swap3A_508 = arith.constant 0 : index
    %swap3A_509 = vector.load %arg5[%swap3A_506, %swap3A_507, %swap3A_508] : memref<1x128x4096xf32, #tpu.memory_space<vmem>>, vector<1x8x1024xf32>
    %swap3A_510 = vector.shape_cast %swap3A_509 : vector<1x8x1024xf32> to vector<8x1024xf32>
    %swap3A_511 = vector.shape_cast %add3A_505 : vector<8x1024xf32> to vector<1x8x1024xf32>
    tpu.vector_store %arg5[%swap3A_506, %swap3A_507, %swap3A_508], %swap3A_511 {strides = array<i32>} : memref<1x128x4096xf32, #tpu.memory_space<vmem>>, vector<1x8x1024xf32>,
    %get3A_512 = arith.constant 0 : index
    %get3A_513 = arith.constant 120 : index
    %get3A_514 = arith.constant 0 : index
    %get3A_515 = vector.load %arg3[%get3A_512, %get3A_513, %get3A_514] : memref<1x128x4096xf32, #tpu.memory_space<vmem>>, vector<1x8x1024xf32>
    %get3A_516 = vector.shape_cast %get3A_515 : vector<1x8x1024xf32> to vector<8x1024xf32>
    %mul3A_517 = vector.broadcast %mul3A_284 : vector<1x1024xf32> to vector<8x1024xf32>
    %mul3A_518 = arith.mulf %get3A_516, %mul3A_517 : vector<8x1024xf32>
    %add3A_519 = vector.broadcast %mul3A_287 : vector<1x1024xf32> to vector<8x1024xf32>
    %add3A_520 = arith.addf %mul3A_518, %add3A_519 : vector<8x1024xf32>
    %swap3A_521 = arith.constant 0 : index
    %swap3A_522 = arith.constant 120 : index
    %swap3A_523 = arith.constant 0 : index
    %swap3A_524 = vector.load %arg5[%swap3A_521, %swap3A_522, %swap3A_523] : memref<1x128x4096xf32, #tpu.memory_space<vmem>>, vector<1x8x1024xf32>
    %swap3A_525 = vector.shape_cast %swap3A_524 : vector<1x8x1024xf32> to vector<8x1024xf32>
    %swap3A_526 = vector.shape_cast %add3A_520 : vector<8x1024xf32> to vector<1x8x1024xf32>
    tpu.vector_store %arg5[%swap3A_521, %swap3A_522, %swap3A_523], %swap3A_526 {strides = array<i32>} : memref<1x128x4096xf32, #tpu.memory_space<vmem>>, vector<1x8x1024xf32>,
    %get3A_527 = arith.constant 0 : index
    %get3A_528 = arith.constant 0 : index
    %get3A_529 = arith.constant 1024 : index
    %get3A_530 = vector.load %arg4[%get3A_527, %get3A_528, %get3A_529] : memref<1x128x4096xf32, #tpu.memory_space<vmem>>, vector<1x8x1024xf32>
    %get3A_531 = vector.shape_cast %get3A_530 : vector<1x8x1024xf32> to vector<8x1024xf32>
    %mul3A_532 = arith.mulf %get3A_531, %get3A_531 : vector<8x1024xf32>
    %get3A_533 = arith.constant 0 : index
    %get3A_534 = arith.constant 8 : index
    %get3A_535 = arith.constant 1024 : index
    %get3A_536 = vector.load %arg4[%get3A_533, %get3A_534, %get3A_535] : memref<1x128x4096xf32, #tpu.memory_space<vmem>>, vector<1x8x1024xf32>
    %get3A_537 = vector.shape_cast %get3A_536 : vector<1x8x1024xf32> to vector<8x1024xf32>
    %add3A_538 = arith.addf %get3A_531, %get3A_537 : vector<8x1024xf32>
    %mul3A_539 = arith.mulf %get3A_537, %get3A_537 : vector<8x1024xf32>
    %add3A_540 = arith.addf %mul3A_532, %mul3A_539 : vector<8x1024xf32>
    %get3A_541 = arith.constant 0 : index
    %get3A_542 = arith.constant 16 : index
    %get3A_543 = arith.constant 1024 : index
    %get3A_544 = vector.load %arg4[%get3A_541, %get3A_542, %get3A_543] : memref<1x128x4096xf32, #tpu.memory_space<vmem>>, vector<1x8x1024xf32>
    %get3A_545 = vector.shape_cast %get3A_544 : vector<1x8x1024xf32> to vector<8x1024xf32>
    %add3A_546 = arith.addf %add3A_538, %get3A_545 : vector<8x1024xf32>
    %mul3A_547 = arith.mulf %get3A_545, %get3A_545 : vector<8x1024xf32>
    %add3A_548 = arith.addf %add3A_540, %mul3A_547 : vector<8x1024xf32>
    %get3A_549 = arith.constant 0 : index
    %get3A_550 = arith.constant 24 : index
    %get3A_551 = arith.constant 1024 : index
    %get3A_552 = vector.load %arg4[%get3A_549, %get3A_550, %get3A_551] : memref<1x128x4096xf32, #tpu.memory_space<vmem>>, vector<1x8x1024xf32>
    %get3A_553 = vector.shape_cast %get3A_552 : vector<1x8x1024xf32> to vector<8x1024xf32>
    %add3A_554 = arith.addf %add3A_546, %get3A_553 : vector<8x1024xf32>
    %mul3A_555 = arith.mulf %get3A_553, %get3A_553 : vector<8x1024xf32>
    %add3A_556 = arith.addf %add3A_548, %mul3A_555 : vector<8x1024xf32>
    %get3A_557 = arith.constant 0 : index
    %get3A_558 = arith.constant 32 : index
    %get3A_559 = arith.constant 1024 : index
    %get3A_560 = vector.load %arg4[%get3A_557, %get3A_558, %get3A_559] : memref<1x128x4096xf32, #tpu.memory_space<vmem>>, vector<1x8x1024xf32>
    %get3A_561 = vector.shape_cast %get3A_560 : vector<1x8x1024xf32> to vector<8x1024xf32>
    %add3A_562 = arith.addf %add3A_554, %get3A_561 : vector<8x1024xf32>
    %mul3A_563 = arith.mulf %get3A_561, %get3A_561 : vector<8x1024xf32>
    %add3A_564 = arith.addf %add3A_556, %mul3A_563 : vector<8x1024xf32>
    %get3A_565 = arith.constant 0 : index
    %get3A_566 = arith.constant 40 : index
    %get3A_567 = arith.constant 1024 : index
    %get3A_568 = vector.load %arg4[%get3A_565, %get3A_566, %get3A_567] : memref<1x128x4096xf32, #tpu.memory_space<vmem>>, vector<1x8x1024xf32>
    %get3A_569 = vector.shape_cast %get3A_568 : vector<1x8x1024xf32> to vector<8x1024xf32>
    %add3A_570 = arith.addf %add3A_562, %get3A_569 : vector<8x1024xf32>
    %mul3A_571 = arith.mulf %get3A_569, %get3A_569 : vector<8x1024xf32>
    %add3A_572 = arith.addf %add3A_564, %mul3A_571 : vector<8x1024xf32>
    %get3A_573 = arith.constant 0 : index
    %get3A_574 = arith.constant 48 : index
    %get3A_575 = arith.constant 1024 : index
    %get3A_576 = vector.load %arg4[%get3A_573, %get3A_574, %get3A_575] : memref<1x128x4096xf32, #tpu.memory_space<vmem>>, vector<1x8x1024xf32>
    %get3A_577 = vector.shape_cast %get3A_576 : vector<1x8x1024xf32> to vector<8x1024xf32>
    %add3A_578 = arith.addf %add3A_570, %get3A_577 : vector<8x1024xf32>
    %mul3A_579 = arith.mulf %get3A_577, %get3A_577 : vector<8x1024xf32>
    %add3A_580 = arith.addf %add3A_572, %mul3A_579 : vector<8x1024xf32>
    %get3A_581 = arith.constant 0 : index
    %get3A_582 = arith.constant 56 : index
    %get3A_583 = arith.constant 1024 : index
    %get3A_584 = vector.load %arg4[%get3A_581, %get3A_582, %get3A_583] : memref<1x128x4096xf32, #tpu.memory_space<vmem>>, vector<1x8x1024xf32>
    %get3A_585 = vector.shape_cast %get3A_584 : vector<1x8x1024xf32> to vector<8x1024xf32>
    %add3A_586 = arith.addf %add3A_578, %get3A_585 : vector<8x1024xf32>
    %mul3A_587 = arith.mulf %get3A_585, %get3A_585 : vector<8x1024xf32>
    %add3A_588 = arith.addf %add3A_580, %mul3A_587 : vector<8x1024xf32>
    %get3A_589 = arith.constant 0 : index
    %get3A_590 = arith.constant 64 : index
    %get3A_591 = arith.constant 1024 : index
    %get3A_592 = vector.load %arg4[%get3A_589, %get3A_590, %get3A_591] : memref<1x128x4096xf32, #tpu.memory_space<vmem>>, vector<1x8x1024xf32>
    %get3A_593 = vector.shape_cast %get3A_592 : vector<1x8x1024xf32> to vector<8x1024xf32>
    %add3A_594 = arith.addf %add3A_586, %get3A_593 : vector<8x1024xf32>
    %mul3A_595 = arith.mulf %get3A_593, %get3A_593 : vector<8x1024xf32>
    %add3A_596 = arith.addf %add3A_588, %mul3A_595 : vector<8x1024xf32>
    %get3A_597 = arith.constant 0 : index
    %get3A_598 = arith.constant 72 : index
    %get3A_599 = arith.constant 1024 : index
    %get3A_600 = vector.load %arg4[%get3A_597, %get3A_598, %get3A_599] : memref<1x128x4096xf32, #tpu.memory_space<vmem>>, vector<1x8x1024xf32>
    %get3A_601 = vector.shape_cast %get3A_600 : vector<1x8x1024xf32> to vector<8x1024xf32>
    %add3A_602 = arith.addf %add3A_594, %get3A_601 : vector<8x1024xf32>
    %mul3A_603 = arith.mulf %get3A_601, %get3A_601 : vector<8x1024xf32>
    %add3A_604 = arith.addf %add3A_596, %mul3A_603 : vector<8x1024xf32>
    %get3A_605 = arith.constant 0 : index
    %get3A_606 = arith.constant 80 : index
    %get3A_607 = arith.constant 1024 : index
    %get3A_608 = vector.load %arg4[%get3A_605, %get3A_606, %get3A_607] : memref<1x128x4096xf32, #tpu.memory_space<vmem>>, vector<1x8x1024xf32>
    %get3A_609 = vector.shape_cast %get3A_608 : vector<1x8x1024xf32> to vector<8x1024xf32>
    %add3A_610 = arith.addf %add3A_602, %get3A_609 : vector<8x1024xf32>
    %mul3A_611 = arith.mulf %get3A_609, %get3A_609 : vector<8x1024xf32>
    %add3A_612 = arith.addf %add3A_604, %mul3A_611 : vector<8x1024xf32>
    %get3A_613 = arith.constant 0 : index
    %get3A_614 = arith.constant 88 : index
    %get3A_615 = arith.constant 1024 : index
    %get3A_616 = vector.load %arg4[%get3A_613, %get3A_614, %get3A_615] : memref<1x128x4096xf32, #tpu.memory_space<vmem>>, vector<1x8x1024xf32>
    %get3A_617 = vector.shape_cast %get3A_616 : vector<1x8x1024xf32> to vector<8x1024xf32>
    %add3A_618 = arith.addf %add3A_610, %get3A_617 : vector<8x1024xf32>
    %mul3A_619 = arith.mulf %get3A_617, %get3A_617 : vector<8x1024xf32>
    %add3A_620 = arith.addf %add3A_612, %mul3A_619 : vector<8x1024xf32>
    %get3A_621 = arith.constant 0 : index
    %get3A_622 = arith.constant 96 : index
    %get3A_623 = arith.constant 1024 : index
    %get3A_624 = vector.load %arg4[%get3A_621, %get3A_622, %get3A_623] : memref<1x128x4096xf32, #tpu.memory_space<vmem>>, vector<1x8x1024xf32>
    %get3A_625 = vector.shape_cast %get3A_624 : vector<1x8x1024xf32> to vector<8x1024xf32>
    %add3A_626 = arith.addf %add3A_618, %get3A_625 : vector<8x1024xf32>
    %mul3A_627 = arith.mulf %get3A_625, %get3A_625 : vector<8x1024xf32>
    %add3A_628 = arith.addf %add3A_620, %mul3A_627 : vector<8x1024xf32>
    %get3A_629 = arith.constant 0 : index
    %get3A_630 = arith.constant 104 : index
    %get3A_631 = arith.constant 1024 : index
    %get3A_632 = vector.load %arg4[%get3A_629, %get3A_630, %get3A_631] : memref<1x128x4096xf32, #tpu.memory_space<vmem>>, vector<1x8x1024xf32>
    %get3A_633 = vector.shape_cast %get3A_632 : vector<1x8x1024xf32> to vector<8x1024xf32>
    %add3A_634 = arith.addf %add3A_626, %get3A_633 : vector<8x1024xf32>
    %mul3A_635 = arith.mulf %get3A_633, %get3A_633 : vector<8x1024xf32>
    %add3A_636 = arith.addf %add3A_628, %mul3A_635 : vector<8x1024xf32>
    %get3A_637 = arith.constant 0 : index
    %get3A_638 = arith.constant 112 : index
    %get3A_639 = arith.constant 1024 : index
    %get3A_640 = vector.load %arg4[%get3A_637, %get3A_638, %get3A_639] : memref<1x128x4096xf32, #tpu.memory_space<vmem>>, vector<1x8x1024xf32>
    %get3A_641 = vector.shape_cast %get3A_640 : vector<1x8x1024xf32> to vector<8x1024xf32>
    %add3A_642 = arith.addf %add3A_634, %get3A_641 : vector<8x1024xf32>
    %mul3A_643 = arith.mulf %get3A_641, %get3A_641 : vector<8x1024xf32>
    %add3A_644 = arith.addf %add3A_636, %mul3A_643 : vector<8x1024xf32>
    %get3A_645 = arith.constant 0 : index
    %get3A_646 = arith.constant 120 : index
    %get3A_647 = arith.constant 1024 : index
    %get3A_648 = vector.load %arg4[%get3A_645, %get3A_646, %get3A_647] : memref<1x128x4096xf32, #tpu.memory_space<vmem>>, vector<1x8x1024xf32>
    %get3A_649 = vector.shape_cast %get3A_648 : vector<1x8x1024xf32> to vector<8x1024xf32>
    %add3A_650 = arith.addf %add3A_642, %get3A_649 : vector<8x1024xf32>
    %mul3A_651 = arith.mulf %get3A_649, %get3A_649 : vector<8x1024xf32>
    %add3A_652 = arith.addf %add3A_644, %mul3A_651 : vector<8x1024xf32>
    %reduce_sum3A_653 = arith.constant dense<0.000000e+00> : vector<1024xf32>
    %reduce_sum3A_654 = vector.multi_reduction <add>, %add3A_650, %reduce_sum3A_653 [0] : vector<8x1024xf32> to vector<1024xf32>
    %broadcast_in_dim3A_655 = vector.shape_cast %reduce_sum3A_654 : vector<1024xf32> to vector<1x1024xf32>
    %reduce_sum3A_656 = arith.constant dense<0.000000e+00> : vector<1024xf32>
    %reduce_sum3A_657 = vector.multi_reduction <add>, %add3A_652, %reduce_sum3A_656 [0] : vector<8x1024xf32> to vector<1024xf32>
    %broadcast_in_dim3A_658 = vector.shape_cast %reduce_sum3A_657 : vector<1024xf32> to vector<1x1024xf32>
    %get3A_659 = arith.constant 0 : index
    %get3A_660 = arith.constant 0 : index
    %get3A_661 = arith.constant 1024 : index
    %get3A_662 = vector.load %arg3[%get3A_659, %get3A_660, %get3A_661] : memref<1x128x4096xf32, #tpu.memory_space<vmem>>, vector<1x8x1024xf32>
    %get3A_663 = vector.shape_cast %get3A_662 : vector<1x8x1024xf32> to vector<8x1024xf32>
    %mul3A_664 = arith.mulf %get3A_663, %get3A_663 : vector<8x1024xf32>
    %get3A_665 = arith.constant 0 : index
    %get3A_666 = arith.constant 8 : index
    %get3A_667 = arith.constant 1024 : index
    %get3A_668 = vector.load %arg3[%get3A_665, %get3A_666, %get3A_667] : memref<1x128x4096xf32, #tpu.memory_space<vmem>>, vector<1x8x1024xf32>
    %get3A_669 = vector.shape_cast %get3A_668 : vector<1x8x1024xf32> to vector<8x1024xf32>
    %add3A_670 = arith.addf %get3A_663, %get3A_669 : vector<8x1024xf32>
    %mul3A_671 = arith.mulf %get3A_669, %get3A_669 : vector<8x1024xf32>
    %add3A_672 = arith.addf %mul3A_664, %mul3A_671 : vector<8x1024xf32>
    %get3A_673 = arith.constant 0 : index
    %get3A_674 = arith.constant 16 : index
    %get3A_675 = arith.constant 1024 : index
    %get3A_676 = vector.load %arg3[%get3A_673, %get3A_674, %get3A_675] : memref<1x128x4096xf32, #tpu.memory_space<vmem>>, vector<1x8x1024xf32>
    %get3A_677 = vector.shape_cast %get3A_676 : vector<1x8x1024xf32> to vector<8x1024xf32>
    %add3A_678 = arith.addf %add3A_670, %get3A_677 : vector<8x1024xf32>
    %mul3A_679 = arith.mulf %get3A_677, %get3A_677 : vector<8x1024xf32>
    %add3A_680 = arith.addf %add3A_672, %mul3A_679 : vector<8x1024xf32>
    %get3A_681 = arith.constant 0 : index
    %get3A_682 = arith.constant 24 : index
    %get3A_683 = arith.constant 1024 : index
    %get3A_684 = vector.load %arg3[%get3A_681, %get3A_682, %get3A_683] : memref<1x128x4096xf32, #tpu.memory_space<vmem>>, vector<1x8x1024xf32>
    %get3A_685 = vector.shape_cast %get3A_684 : vector<1x8x1024xf32> to vector<8x1024xf32>
    %add3A_686 = arith.addf %add3A_678, %get3A_685 : vector<8x1024xf32>
    %mul3A_687 = arith.mulf %get3A_685, %get3A_685 : vector<8x1024xf32>
    %add3A_688 = arith.addf %add3A_680, %mul3A_687 : vector<8x1024xf32>
    %get3A_689 = arith.constant 0 : index
    %get3A_690 = arith.constant 32 : index
    %get3A_691 = arith.constant 1024 : index
    %get3A_692 = vector.load %arg3[%get3A_689, %get3A_690, %get3A_691] : memref<1x128x4096xf32, #tpu.memory_space<vmem>>, vector<1x8x1024xf32>
    %get3A_693 = vector.shape_cast %get3A_692 : vector<1x8x1024xf32> to vector<8x1024xf32>
    %add3A_694 = arith.addf %add3A_686, %get3A_693 : vector<8x1024xf32>
    %mul3A_695 = arith.mulf %get3A_693, %get3A_693 : vector<8x1024xf32>
    %add3A_696 = arith.addf %add3A_688, %mul3A_695 : vector<8x1024xf32>
    %get3A_697 = arith.constant 0 : index
    %get3A_698 = arith.constant 40 : index
    %get3A_699 = arith.constant 1024 : index
    %get3A_700 = vector.load %arg3[%get3A_697, %get3A_698, %get3A_699] : memref<1x128x4096xf32, #tpu.memory_space<vmem>>, vector<1x8x1024xf32>
    %get3A_701 = vector.shape_cast %get3A_700 : vector<1x8x1024xf32> to vector<8x1024xf32>
    %add3A_702 = arith.addf %add3A_694, %get3A_701 : vector<8x1024xf32>
    %mul3A_703 = arith.mulf %get3A_701, %get3A_701 : vector<8x1024xf32>
    %add3A_704 = arith.addf %add3A_696, %mul3A_703 : vector<8x1024xf32>
    %get3A_705 = arith.constant 0 : index
    %get3A_706 = arith.constant 48 : index
    %get3A_707 = arith.constant 1024 : index
    %get3A_708 = vector.load %arg3[%get3A_705, %get3A_706, %get3A_707] : memref<1x128x4096xf32, #tpu.memory_space<vmem>>, vector<1x8x1024xf32>
    %get3A_709 = vector.shape_cast %get3A_708 : vector<1x8x1024xf32> to vector<8x1024xf32>
    %add3A_710 = arith.addf %add3A_702, %get3A_709 : vector<8x1024xf32>
    %mul3A_711 = arith.mulf %get3A_709, %get3A_709 : vector<8x1024xf32>
    %add3A_712 = arith.addf %add3A_704, %mul3A_711 : vector<8x1024xf32>
    %get3A_713 = arith.constant 0 : index
    %get3A_714 = arith.constant 56 : index
    %get3A_715 = arith.constant 1024 : index
    %get3A_716 = vector.load %arg3[%get3A_713, %get3A_714, %get3A_715] : memref<1x128x4096xf32, #tpu.memory_space<vmem>>, vector<1x8x1024xf32>
    %get3A_717 = vector.shape_cast %get3A_716 : vector<1x8x1024xf32> to vector<8x1024xf32>
    %add3A_718 = arith.addf %add3A_710, %get3A_717 : vector<8x1024xf32>
    %mul3A_719 = arith.mulf %get3A_717, %get3A_717 : vector<8x1024xf32>
    %add3A_720 = arith.addf %add3A_712, %mul3A_719 : vector<8x1024xf32>
    %get3A_721 = arith.constant 0 : index
    %get3A_722 = arith.constant 64 : index
    %get3A_723 = arith.constant 1024 : index
    %get3A_724 = vector.load %arg3[%get3A_721, %get3A_722, %get3A_723] : memref<1x128x4096xf32, #tpu.memory_space<vmem>>, vector<1x8x1024xf32>
    %get3A_725 = vector.shape_cast %get3A_724 : vector<1x8x1024xf32> to vector<8x1024xf32>
    %add3A_726 = arith.addf %add3A_718, %get3A_725 : vector<8x1024xf32>
    %mul3A_727 = arith.mulf %get3A_725, %get3A_725 : vector<8x1024xf32>
    %add3A_728 = arith.addf %add3A_720, %mul3A_727 : vector<8x1024xf32>
    %get3A_729 = arith.constant 0 : index
    %get3A_730 = arith.constant 72 : index
    %get3A_731 = arith.constant 1024 : index
    %get3A_732 = vector.load %arg3[%get3A_729, %get3A_730, %get3A_731] : memref<1x128x4096xf32, #tpu.memory_space<vmem>>, vector<1x8x1024xf32>
    %get3A_733 = vector.shape_cast %get3A_732 : vector<1x8x1024xf32> to vector<8x1024xf32>
    %add3A_734 = arith.addf %add3A_726, %get3A_733 : vector<8x1024xf32>
    %mul3A_735 = arith.mulf %get3A_733, %get3A_733 : vector<8x1024xf32>
    %add3A_736 = arith.addf %add3A_728, %mul3A_735 : vector<8x1024xf32>
    %get3A_737 = arith.constant 0 : index
    %get3A_738 = arith.constant 80 : index
    %get3A_739 = arith.constant 1024 : index
    %get3A_740 = vector.load %arg3[%get3A_737, %get3A_738, %get3A_739] : memref<1x128x4096xf32, #tpu.memory_space<vmem>>, vector<1x8x1024xf32>
    %get3A_741 = vector.shape_cast %get3A_740 : vector<1x8x1024xf32> to vector<8x1024xf32>
    %add3A_742 = arith.addf %add3A_734, %get3A_741 : vector<8x1024xf32>
    %mul3A_743 = arith.mulf %get3A_741, %get3A_741 : vector<8x1024xf32>
    %add3A_744 = arith.addf %add3A_736, %mul3A_743 : vector<8x1024xf32>
    %get3A_745 = arith.constant 0 : index
    %get3A_746 = arith.constant 88 : index
    %get3A_747 = arith.constant 1024 : index
    %get3A_748 = vector.load %arg3[%get3A_745, %get3A_746, %get3A_747] : memref<1x128x4096xf32, #tpu.memory_space<vmem>>, vector<1x8x1024xf32>
    %get3A_749 = vector.shape_cast %get3A_748 : vector<1x8x1024xf32> to vector<8x1024xf32>
    %add3A_750 = arith.addf %add3A_742, %get3A_749 : vector<8x1024xf32>
    %mul3A_751 = arith.mulf %get3A_749, %get3A_749 : vector<8x1024xf32>
    %add3A_752 = arith.addf %add3A_744, %mul3A_751 : vector<8x1024xf32>
    %get3A_753 = arith.constant 0 : index
    %get3A_754 = arith.constant 96 : index
    %get3A_755 = arith.constant 1024 : index
    %get3A_756 = vector.load %arg3[%get3A_753, %get3A_754, %get3A_755] : memref<1x128x4096xf32, #tpu.memory_space<vmem>>, vector<1x8x1024xf32>
    %get3A_757 = vector.shape_cast %get3A_756 : vector<1x8x1024xf32> to vector<8x1024xf32>
    %add3A_758 = arith.addf %add3A_750, %get3A_757 : vector<8x1024xf32>
    %mul3A_759 = arith.mulf %get3A_757, %get3A_757 : vector<8x1024xf32>
    %add3A_760 = arith.addf %add3A_752, %mul3A_759 : vector<8x1024xf32>
    %get3A_761 = arith.constant 0 : index
    %get3A_762 = arith.constant 104 : index
    %get3A_763 = arith.constant 1024 : index
    %get3A_764 = vector.load %arg3[%get3A_761, %get3A_762, %get3A_763] : memref<1x128x4096xf32, #tpu.memory_space<vmem>>, vector<1x8x1024xf32>
    %get3A_765 = vector.shape_cast %get3A_764 : vector<1x8x1024xf32> to vector<8x1024xf32>
    %add3A_766 = arith.addf %add3A_758, %get3A_765 : vector<8x1024xf32>
    %mul3A_767 = arith.mulf %get3A_765, %get3A_765 : vector<8x1024xf32>
    %add3A_768 = arith.addf %add3A_760, %mul3A_767 : vector<8x1024xf32>
    %get3A_769 = arith.constant 0 : index
    %get3A_770 = arith.constant 112 : index
    %get3A_771 = arith.constant 1024 : index
    %get3A_772 = vector.load %arg3[%get3A_769, %get3A_770, %get3A_771] : memref<1x128x4096xf32, #tpu.memory_space<vmem>>, vector<1x8x1024xf32>
    %get3A_773 = vector.shape_cast %get3A_772 : vector<1x8x1024xf32> to vector<8x1024xf32>
    %add3A_774 = arith.addf %add3A_766, %get3A_773 : vector<8x1024xf32>
    %mul3A_775 = arith.mulf %get3A_773, %get3A_773 : vector<8x1024xf32>
    %add3A_776 = arith.addf %add3A_768, %mul3A_775 : vector<8x1024xf32>
    %get3A_777 = arith.constant 0 : index
    %get3A_778 = arith.constant 120 : index
    %get3A_779 = arith.constant 1024 : index
    %get3A_780 = vector.load %arg3[%get3A_777, %get3A_778, %get3A_779] : memref<1x128x4096xf32, #tpu.memory_space<vmem>>, vector<1x8x1024xf32>
    %get3A_781 = vector.shape_cast %get3A_780 : vector<1x8x1024xf32> to vector<8x1024xf32>
    %add3A_782 = arith.addf %add3A_774, %get3A_781 : vector<8x1024xf32>
    %mul3A_783 = arith.mulf %get3A_781, %get3A_781 : vector<8x1024xf32>
    %add3A_784 = arith.addf %add3A_776, %mul3A_783 : vector<8x1024xf32>
    %reduce_sum3A_785 = arith.constant dense<0.000000e+00> : vector<1024xf32>
    %reduce_sum3A_786 = vector.multi_reduction <add>, %add3A_782, %reduce_sum3A_785 [0] : vector<8x1024xf32> to vector<1024xf32>
    %broadcast_in_dim3A_787 = vector.shape_cast %reduce_sum3A_786 : vector<1024xf32> to vector<1x1024xf32>
    %reduce_sum3A_788 = arith.constant dense<0.000000e+00> : vector<1024xf32>
    %reduce_sum3A_789 = vector.multi_reduction <add>, %add3A_784, %reduce_sum3A_788 [0] : vector<8x1024xf32> to vector<1024xf32>
    %broadcast_in_dim3A_790 = vector.shape_cast %reduce_sum3A_789 : vector<1024xf32> to vector<1x1024xf32>
    %mul3A_791 = arith.constant 7.812500e-03 : f32
    %mul3A_792 = vector.broadcast %mul3A_791 : f32 to vector<1x1024xf32>
    %mul3A_793 = arith.mulf %broadcast_in_dim3A_655, %mul3A_792 : vector<1x1024xf32>
    %mul3A_794 = arith.mulf %broadcast_in_dim3A_655, %mul3A_793 : vector<1x1024xf32>
    %sub3A_795 = arith.subf %broadcast_in_dim3A_658, %mul3A_794 : vector<1x1024xf32>
    %mul3A_796 = arith.constant 0.00787401571 : f32
    %mul3A_797 = vector.broadcast %mul3A_796 : f32 to vector<1x1024xf32>
    %mul3A_798 = arith.mulf %sub3A_795, %mul3A_797 : vector<1x1024xf32>
    %mul3A_799 = arith.constant 7.812500e-03 : f32
    %mul3A_800 = vector.broadcast %mul3A_799 : f32 to vector<1x1024xf32>
    %mul3A_801 = arith.mulf %broadcast_in_dim3A_787, %mul3A_800 : vector<1x1024xf32>
    %mul3A_802 = arith.mulf %broadcast_in_dim3A_787, %mul3A_801 : vector<1x1024xf32>
    %sub3A_803 = arith.subf %broadcast_in_dim3A_790, %mul3A_802 : vector<1x1024xf32>
    %mul3A_804 = arith.constant 0.00787401571 : f32
    %mul3A_805 = vector.broadcast %mul3A_804 : f32 to vector<1x1024xf32>
    %mul3A_806 = arith.mulf %sub3A_803, %mul3A_805 : vector<1x1024xf32>
    %add3A_807 = arith.constant 9.99999974E-6 : f32
    %add3A_808 = vector.broadcast %add3A_807 : f32 to vector<1x1024xf32>
    %add3A_809 = arith.addf %mul3A_798, %add3A_808 : vector<1x1024xf32>
    %add3A_810 = arith.constant 9.99999974E-6 : f32
    %add3A_811 = vector.broadcast %add3A_810 : f32 to vector<1x1024xf32>
    %add3A_812 = arith.addf %mul3A_806, %add3A_811 : vector<1x1024xf32>
    %div3A_813 = arith.divf %add3A_809, %add3A_812 : vector<1x1024xf32>
    %sqrt3A_814 = math.sqrt %div3A_813 : vector<1x1024xf32>
    %mul3A_815 = arith.mulf %mul3A_801, %sqrt3A_814 : vector<1x1024xf32>
    %sub3A_816 = arith.subf %mul3A_793, %mul3A_815 : vector<1x1024xf32>
    %mul3A_817 = arith.constant 0.999999821 : f32
    %mul3A_818 = vector.broadcast %mul3A_817 : f32 to vector<1x1024xf32>
    %mul3A_819 = arith.mulf %sqrt3A_814, %mul3A_818 : vector<1x1024xf32>
    %mul3A_820 = arith.constant 0.999999821 : f32
    %mul3A_821 = vector.broadcast %mul3A_820 : f32 to vector<1x1024xf32>
    %mul3A_822 = arith.mulf %sub3A_816, %mul3A_821 : vector<1x1024xf32>
    %get3A_823 = arith.constant 0 : index
    %get3A_824 = arith.constant 0 : index
    %get3A_825 = arith.constant 1024 : index
    %get3A_826 = vector.load %arg3[%get3A_823, %get3A_824, %get3A_825] : memref<1x128x4096xf32, #tpu.memory_space<vmem>>, vector<1x8x1024xf32>
    %get3A_827 = vector.shape_cast %get3A_826 : vector<1x8x1024xf32> to vector<8x1024xf32>
    %mul3A_828 = vector.broadcast %mul3A_819 : vector<1x1024xf32> to vector<8x1024xf32>
    %mul3A_829 = arith.mulf %get3A_827, %mul3A_828 : vector<8x1024xf32>
    %add3A_830 = vector.broadcast %mul3A_822 : vector<1x1024xf32> to vector<8x1024xf32>
    %add3A_831 = arith.addf %mul3A_829, %add3A_830 : vector<8x1024xf32>
    %swap3A_832 = arith.constant 0 : index
    %swap3A_833 = arith.constant 0 : index
    %swap3A_834 = arith.constant 1024 : index
    %swap3A_835 = vector.load %arg5[%swap3A_832, %swap3A_833, %swap3A_834] : memref<1x128x4096xf32, #tpu.memory_space<vmem>>, vector<1x8x1024xf32>
    %swap3A_836 = vector.shape_cast %swap3A_835 : vector<1x8x1024xf32> to vector<8x1024xf32>
    %swap3A_837 = vector.shape_cast %add3A_831 : vector<8x1024xf32> to vector<1x8x1024xf32>
    tpu.vector_store %arg5[%swap3A_832, %swap3A_833, %swap3A_834], %swap3A_837 {strides = array<i32>} : memref<1x128x4096xf32, #tpu.memory_space<vmem>>, vector<1x8x1024xf32>,
    %get3A_838 = arith.constant 0 : index
    %get3A_839 = arith.constant 8 : index
    %get3A_840 = arith.constant 1024 : index
    %get3A_841 = vector.load %arg3[%get3A_838, %get3A_839, %get3A_840] : memref<1x128x4096xf32, #tpu.memory_space<vmem>>, vector<1x8x1024xf32>
    %get3A_842 = vector.shape_cast %get3A_841 : vector<1x8x1024xf32> to vector<8x1024xf32>
    %mul3A_843 = vector.broadcast %mul3A_819 : vector<1x1024xf32> to vector<8x1024xf32>
    %mul3A_844 = arith.mulf %get3A_842, %mul3A_843 : vector<8x1024xf32>
    %add3A_845 = vector.broadcast %mul3A_822 : vector<1x1024xf32> to vector<8x1024xf32>
    %add3A_846 = arith.addf %mul3A_844, %add3A_845 : vector<8x1024xf32>
    %swap3A_847 = arith.constant 0 : index
    %swap3A_848 = arith.constant 8 : index
    %swap3A_849 = arith.constant 1024 : index
    %swap3A_850 = vector.load %arg5[%swap3A_847, %swap3A_848, %swap3A_849] : memref<1x128x4096xf32, #tpu.memory_space<vmem>>, vector<1x8x1024xf32>
    %swap3A_851 = vector.shape_cast %swap3A_850 : vector<1x8x1024xf32> to vector<8x1024xf32>
    %swap3A_852 = vector.shape_cast %add3A_846 : vector<8x1024xf32> to vector<1x8x1024xf32>
    tpu.vector_store %arg5[%swap3A_847, %swap3A_848, %swap3A_849], %swap3A_852 {strides = array<i32>} : memref<1x128x4096xf32, #tpu.memory_space<vmem>>, vector<1x8x1024xf32>,
    %get3A_853 = arith.constant 0 : index
    %get3A_854 = arith.constant 16 : index
    %get3A_855 = arith.constant 1024 : index
    %get3A_856 = vector.load %arg3[%get3A_853, %get3A_854, %get3A_855] : memref<1x128x4096xf32, #tpu.memory_space<vmem>>, vector<1x8x1024xf32>
    %get3A_857 = vector.shape_cast %get3A_856 : vector<1x8x1024xf32> to vector<8x1024xf32>
    %mul3A_858 = vector.broadcast %mul3A_819 : vector<1x1024xf32> to vector<8x1024xf32>
    %mul3A_859 = arith.mulf %get3A_857, %mul3A_858 : vector<8x1024xf32>
    %add3A_860 = vector.broadcast %mul3A_822 : vector<1x1024xf32> to vector<8x1024xf32>
    %add3A_861 = arith.addf %mul3A_859, %add3A_860 : vector<8x1024xf32>
    %swap3A_862 = arith.constant 0 : index
    %swap3A_863 = arith.constant 16 : index
    %swap3A_864 = arith.constant 1024 : index
    %swap3A_865 = vector.load %arg5[%swap3A_862, %swap3A_863, %swap3A_864] : memref<1x128x4096xf32, #tpu.memory_space<vmem>>, vector<1x8x1024xf32>
    %swap3A_866 = vector.shape_cast %swap3A_865 : vector<1x8x1024xf32> to vector<8x1024xf32>
    %swap3A_867 = vector.shape_cast %add3A_861 : vector<8x1024xf32> to vector<1x8x1024xf32>
    tpu.vector_store %arg5[%swap3A_862, %swap3A_863, %swap3A_864], %swap3A_867 {strides = array<i32>} : memref<1x128x4096xf32, #tpu.memory_space<vmem>>, vector<1x8x1024xf32>,
    %get3A_868 = arith.constant 0 : index
    %get3A_869 = arith.constant 24 : index
    %get3A_870 = arith.constant 1024 : index
    %get3A_871 = vector.load %arg3[%get3A_868, %get3A_869, %get3A_870] : memref<1x128x4096xf32, #tpu.memory_space<vmem>>, vector<1x8x1024xf32>
    %get3A_872 = vector.shape_cast %get3A_871 : vector<1x8x1024xf32> to vector<8x1024xf32>
    %mul3A_873 = vector.broadcast %mul3A_819 : vector<1x1024xf32> to vector<8x1024xf32>
    %mul3A_874 = arith.mulf %get3A_872, %mul3A_873 : vector<8x1024xf32>
    %add3A_875 = vector.broadcast %mul3A_822 : vector<1x1024xf32> to vector<8x1024xf32>
    %add3A_876 = arith.addf %mul3A_874, %add3A_875 : vector<8x1024xf32>
    %swap3A_877 = arith.constant 0 : index
    %swap3A_878 = arith.constant 24 : index
    %swap3A_879 = arith.constant 1024 : index
    %swap3A_880 = vector.load %arg5[%swap3A_877, %swap3A_878, %swap3A_879] : memref<1x128x4096xf32, #tpu.memory_space<vmem>>, vector<1x8x1024xf32>
    %swap3A_881 = vector.shape_cast %swap3A_880 : vector<1x8x1024xf32> to vector<8x1024xf32>
    %swap3A_882 = vector.shape_cast %add3A_876 : vector<8x1024xf32> to vector<1x8x1024xf32>
    tpu.vector_store %arg5[%swap3A_877, %swap3A_878, %swap3A_879], %swap3A_882 {strides = array<i32>} : memref<1x128x4096xf32, #tpu.memory_space<vmem>>, vector<1x8x1024xf32>,
    %get3A_883 = arith.constant 0 : index
    %get3A_884 = arith.constant 32 : index
    %get3A_885 = arith.constant 1024 : index
    %get3A_886 = vector.load %arg3[%get3A_883, %get3A_884, %get3A_885] : memref<1x128x4096xf32, #tpu.memory_space<vmem>>, vector<1x8x1024xf32>
    %get3A_887 = vector.shape_cast %get3A_886 : vector<1x8x1024xf32> to vector<8x1024xf32>
    %mul3A_888 = vector.broadcast %mul3A_819 : vector<1x1024xf32> to vector<8x1024xf32>
    %mul3A_889 = arith.mulf %get3A_887, %mul3A_888 : vector<8x1024xf32>
    %add3A_890 = vector.broadcast %mul3A_822 : vector<1x1024xf32> to vector<8x1024xf32>
    %add3A_891 = arith.addf %mul3A_889, %add3A_890 : vector<8x1024xf32>
    %swap3A_892 = arith.constant 0 : index
    %swap3A_893 = arith.constant 32 : index
    %swap3A_894 = arith.constant 1024 : index
    %swap3A_895 = vector.load %arg5[%swap3A_892, %swap3A_893, %swap3A_894] : memref<1x128x4096xf32, #tpu.memory_space<vmem>>, vector<1x8x1024xf32>
    %swap3A_896 = vector.shape_cast %swap3A_895 : vector<1x8x1024xf32> to vector<8x1024xf32>
    %swap3A_897 = vector.shape_cast %add3A_891 : vector<8x1024xf32> to vector<1x8x1024xf32>
    tpu.vector_store %arg5[%swap3A_892, %swap3A_893, %swap3A_894], %swap3A_897 {strides = array<i32>} : memref<1x128x4096xf32, #tpu.memory_space<vmem>>, vector<1x8x1024xf32>,
    %get3A_898 = arith.constant 0 : index
    %get3A_899 = arith.constant 40 : index
    %get3A_900 = arith.constant 1024 : index
    %get3A_901 = vector.load %arg3[%get3A_898, %get3A_899, %get3A_900] : memref<1x128x4096xf32, #tpu.memory_space<vmem>>, vector<1x8x1024xf32>
    %get3A_902 = vector.shape_cast %get3A_901 : vector<1x8x1024xf32> to vector<8x1024xf32>
    %mul3A_903 = vector.broadcast %mul3A_819 : vector<1x1024xf32> to vector<8x1024xf32>
    %mul3A_904 = arith.mulf %get3A_902, %mul3A_903 : vector<8x1024xf32>
    %add3A_905 = vector.broadcast %mul3A_822 : vector<1x1024xf32> to vector<8x1024xf32>
    %add3A_906 = arith.addf %mul3A_904, %add3A_905 : vector<8x1024xf32>
    %swap3A_907 = arith.constant 0 : index
    %swap3A_908 = arith.constant 40 : index
    %swap3A_909 = arith.constant 1024 : index
    %swap3A_910 = vector.load %arg5[%swap3A_907, %swap3A_908, %swap3A_909] : memref<1x128x4096xf32, #tpu.memory_space<vmem>>, vector<1x8x1024xf32>
    %swap3A_911 = vector.shape_cast %swap3A_910 : vector<1x8x1024xf32> to vector<8x1024xf32>
    %swap3A_912 = vector.shape_cast %add3A_906 : vector<8x1024xf32> to vector<1x8x1024xf32>
    tpu.vector_store %arg5[%swap3A_907, %swap3A_908, %swap3A_909], %swap3A_912 {strides = array<i32>} : memref<1x128x4096xf32, #tpu.memory_space<vmem>>, vector<1x8x1024xf32>,
    %get3A_913 = arith.constant 0 : index
    %get3A_914 = arith.constant 48 : index
    %get3A_915 = arith.constant 1024 : index
    %get3A_916 = vector.load %arg3[%get3A_913, %get3A_914, %get3A_915] : memref<1x128x4096xf32, #tpu.memory_space<vmem>>, vector<1x8x1024xf32>
    %get3A_917 = vector.shape_cast %get3A_916 : vector<1x8x1024xf32> to vector<8x1024xf32>
    %mul3A_918 = vector.broadcast %mul3A_819 : vector<1x1024xf32> to vector<8x1024xf32>
    %mul3A_919 = arith.mulf %get3A_917, %mul3A_918 : vector<8x1024xf32>
    %add3A_920 = vector.broadcast %mul3A_822 : vector<1x1024xf32> to vector<8x1024xf32>
    %add3A_921 = arith.addf %mul3A_919, %add3A_920 : vector<8x1024xf32>
    %swap3A_922 = arith.constant 0 : index
    %swap3A_923 = arith.constant 48 : index
    %swap3A_924 = arith.constant 1024 : index
    %swap3A_925 = vector.load %arg5[%swap3A_922, %swap3A_923, %swap3A_924] : memref<1x128x4096xf32, #tpu.memory_space<vmem>>, vector<1x8x1024xf32>
    %swap3A_926 = vector.shape_cast %swap3A_925 : vector<1x8x1024xf32> to vector<8x1024xf32>
    %swap3A_927 = vector.shape_cast %add3A_921 : vector<8x1024xf32> to vector<1x8x1024xf32>
    tpu.vector_store %arg5[%swap3A_922, %swap3A_923, %swap3A_924], %swap3A_927 {strides = array<i32>} : memref<1x128x4096xf32, #tpu.memory_space<vmem>>, vector<1x8x1024xf32>,
    %get3A_928 = arith.constant 0 : index
    %get3A_929 = arith.constant 56 : index
    %get3A_930 = arith.constant 1024 : index
    %get3A_931 = vector.load %arg3[%get3A_928, %get3A_929, %get3A_930] : memref<1x128x4096xf32, #tpu.memory_space<vmem>>, vector<1x8x1024xf32>
    %get3A_932 = vector.shape_cast %get3A_931 : vector<1x8x1024xf32> to vector<8x1024xf32>
    %mul3A_933 = vector.broadcast %mul3A_819 : vector<1x1024xf32> to vector<8x1024xf32>
    %mul3A_934 = arith.mulf %get3A_932, %mul3A_933 : vector<8x1024xf32>
    %add3A_935 = vector.broadcast %mul3A_822 : vector<1x1024xf32> to vector<8x1024xf32>
    %add3A_936 = arith.addf %mul3A_934, %add3A_935 : vector<8x1024xf32>
    %swap3A_937 = arith.constant 0 : index
    %swap3A_938 = arith.constant 56 : index
    %swap3A_939 = arith.constant 1024 : index
    %swap3A_940 = vector.load %arg5[%swap3A_937, %swap3A_938, %swap3A_939] : memref<1x128x4096xf32, #tpu.memory_space<vmem>>, vector<1x8x1024xf32>
    %swap3A_941 = vector.shape_cast %swap3A_940 : vector<1x8x1024xf32> to vector<8x1024xf32>
    %swap3A_942 = vector.shape_cast %add3A_936 : vector<8x1024xf32> to vector<1x8x1024xf32>
    tpu.vector_store %arg5[%swap3A_937, %swap3A_938, %swap3A_939], %swap3A_942 {strides = array<i32>} : memref<1x128x4096xf32, #tpu.memory_space<vmem>>, vector<1x8x1024xf32>,
    %get3A_943 = arith.constant 0 : index
    %get3A_944 = arith.constant 64 : index
    %get3A_945 = arith.constant 1024 : index
    %get3A_946 = vector.load %arg3[%get3A_943, %get3A_944, %get3A_945] : memref<1x128x4096xf32, #tpu.memory_space<vmem>>, vector<1x8x1024xf32>
    %get3A_947 = vector.shape_cast %get3A_946 : vector<1x8x1024xf32> to vector<8x1024xf32>
    %mul3A_948 = vector.broadcast %mul3A_819 : vector<1x1024xf32> to vector<8x1024xf32>
    %mul3A_949 = arith.mulf %get3A_947, %mul3A_948 : vector<8x1024xf32>
    %add3A_950 = vector.broadcast %mul3A_822 : vector<1x1024xf32> to vector<8x1024xf32>
    %add3A_951 = arith.addf %mul3A_949, %add3A_950 : vector<8x1024xf32>
    %swap3A_952 = arith.constant 0 : index
    %swap3A_953 = arith.constant 64 : index
    %swap3A_954 = arith.constant 1024 : index
    %swap3A_955 = vector.load %arg5[%swap3A_952, %swap3A_953, %swap3A_954] : memref<1x128x4096xf32, #tpu.memory_space<vmem>>, vector<1x8x1024xf32>
    %swap3A_956 = vector.shape_cast %swap3A_955 : vector<1x8x1024xf32> to vector<8x1024xf32>
    %swap3A_957 = vector.shape_cast %add3A_951 : vector<8x1024xf32> to vector<1x8x1024xf32>
    tpu.vector_store %arg5[%swap3A_952, %swap3A_953, %swap3A_954], %swap3A_957 {strides = array<i32>} : memref<1x128x4096xf32, #tpu.memory_space<vmem>>, vector<1x8x1024xf32>,
    %get3A_958 = arith.constant 0 : index
    %get3A_959 = arith.constant 72 : index
    %get3A_960 = arith.constant 1024 : index
    %get3A_961 = vector.load %arg3[%get3A_958, %get3A_959, %get3A_960] : memref<1x128x4096xf32, #tpu.memory_space<vmem>>, vector<1x8x1024xf32>
    %get3A_962 = vector.shape_cast %get3A_961 : vector<1x8x1024xf32> to vector<8x1024xf32>
    %mul3A_963 = vector.broadcast %mul3A_819 : vector<1x1024xf32> to vector<8x1024xf32>
    %mul3A_964 = arith.mulf %get3A_962, %mul3A_963 : vector<8x1024xf32>
    %add3A_965 = vector.broadcast %mul3A_822 : vector<1x1024xf32> to vector<8x1024xf32>
    %add3A_966 = arith.addf %mul3A_964, %add3A_965 : vector<8x1024xf32>
    %swap3A_967 = arith.constant 0 : index
    %swap3A_968 = arith.constant 72 : index
    %swap3A_969 = arith.constant 1024 : index
    %swap3A_970 = vector.load %arg5[%swap3A_967, %swap3A_968, %swap3A_969] : memref<1x128x4096xf32, #tpu.memory_space<vmem>>, vector<1x8x1024xf32>
    %swap3A_971 = vector.shape_cast %swap3A_970 : vector<1x8x1024xf32> to vector<8x1024xf32>
    %swap3A_972 = vector.shape_cast %add3A_966 : vector<8x1024xf32> to vector<1x8x1024xf32>
    tpu.vector_store %arg5[%swap3A_967, %swap3A_968, %swap3A_969], %swap3A_972 {strides = array<i32>} : memref<1x128x4096xf32, #tpu.memory_space<vmem>>, vector<1x8x1024xf32>,
    %get3A_973 = arith.constant 0 : index
    %get3A_974 = arith.constant 80 : index
    %get3A_975 = arith.constant 1024 : index
    %get3A_976 = vector.load %arg3[%get3A_973, %get3A_974, %get3A_975] : memref<1x128x4096xf32, #tpu.memory_space<vmem>>, vector<1x8x1024xf32>
    %get3A_977 = vector.shape_cast %get3A_976 : vector<1x8x1024xf32> to vector<8x1024xf32>
    %mul3A_978 = vector.broadcast %mul3A_819 : vector<1x1024xf32> to vector<8x1024xf32>
    %mul3A_979 = arith.mulf %get3A_977, %mul3A_978 : vector<8x1024xf32>
    %add3A_980 = vector.broadcast %mul3A_822 : vector<1x1024xf32> to vector<8x1024xf32>
    %add3A_981 = arith.addf %mul3A_979, %add3A_980 : vector<8x1024xf32>
    %swap3A_982 = arith.constant 0 : index
    %swap3A_983 = arith.constant 80 : index
    %swap3A_984 = arith.constant 1024 : index
    %swap3A_985 = vector.load %arg5[%swap3A_982, %swap3A_983, %swap3A_984] : memref<1x128x4096xf32, #tpu.memory_space<vmem>>, vector<1x8x1024xf32>
    %swap3A_986 = vector.shape_cast %swap3A_985 : vector<1x8x1024xf32> to vector<8x1024xf32>
    %swap3A_987 = vector.shape_cast %add3A_981 : vector<8x1024xf32> to vector<1x8x1024xf32>
    tpu.vector_store %arg5[%swap3A_982, %swap3A_983, %swap3A_984], %swap3A_987 {strides = array<i32>} : memref<1x128x4096xf32, #tpu.memory_space<vmem>>, vector<1x8x1024xf32>,
    %get3A_988 = arith.constant 0 : index
    %get3A_989 = arith.constant 88 : index
    %get3A_990 = arith.constant 1024 : index
    %get3A_991 = vector.load %arg3[%get3A_988, %get3A_989, %get3A_990] : memref<1x128x4096xf32, #tpu.memory_space<vmem>>, vector<1x8x1024xf32>
    %get3A_992 = vector.shape_cast %get3A_991 : vector<1x8x1024xf32> to vector<8x1024xf32>
    %mul3A_993 = vector.broadcast %mul3A_819 : vector<1x1024xf32> to vector<8x1024xf32>
    %mul3A_994 = arith.mulf %get3A_992, %mul3A_993 : vector<8x1024xf32>
    %add3A_995 = vector.broadcast %mul3A_822 : vector<1x1024xf32> to vector<8x1024xf32>
    %add3A_996 = arith.addf %mul3A_994, %add3A_995 : vector<8x1024xf32>
    %swap3A_997 = arith.constant 0 : index
    %swap3A_998 = arith.constant 88 : index
    %swap3A_999 = arith.constant 1024 : index
    %swap3A_1000 = vector.load %arg5[%swap3A_997, %swap3A_998, %swap3A_999] : memref<1x128x4096xf32, #tpu.memory_space<vmem>>, vector<1x8x1024xf32>
    %swap3A_1001 = vector.shape_cast %swap3A_1000 : vector<1x8x1024xf32> to vector<8x1024xf32>
    %swap3A_1002 = vector.shape_cast %add3A_996 : vector<8x1024xf32> to vector<1x8x1024xf32>
    tpu.vector_store %arg5[%swap3A_997, %swap3A_998, %swap3A_999], %swap3A_1002 {strides = array<i32>} : memref<1x128x4096xf32, #tpu.memory_space<vmem>>, vector<1x8x1024xf32>,
    %get3A_1003 = arith.constant 0 : index
    %get3A_1004 = arith.constant 96 : index
    %get3A_1005 = arith.constant 1024 : index
    %get3A_1006 = vector.load %arg3[%get3A_1003, %get3A_1004, %get3A_1005] : memref<1x128x4096xf32, #tpu.memory_space<vmem>>, vector<1x8x1024xf32>
    %get3A_1007 = vector.shape_cast %get3A_1006 : vector<1x8x1024xf32> to vector<8x1024xf32>
    %mul3A_1008 = vector.broadcast %mul3A_819 : vector<1x1024xf32> to vector<8x1024xf32>
    %mul3A_1009 = arith.mulf %get3A_1007, %mul3A_1008 : vector<8x1024xf32>
    %add3A_1010 = vector.broadcast %mul3A_822 : vector<1x1024xf32> to vector<8x1024xf32>
    %add3A_1011 = arith.addf %mul3A_1009, %add3A_1010 : vector<8x1024xf32>
    %swap3A_1012 = arith.constant 0 : index
    %swap3A_1013 = arith.constant 96 : index
    %swap3A_1014 = arith.constant 1024 : index
    %swap3A_1015 = vector.load %arg5[%swap3A_1012, %swap3A_1013, %swap3A_1014] : memref<1x128x4096xf32, #tpu.memory_space<vmem>>, vector<1x8x1024xf32>
    %swap3A_1016 = vector.shape_cast %swap3A_1015 : vector<1x8x1024xf32> to vector<8x1024xf32>
    %swap3A_1017 = vector.shape_cast %add3A_1011 : vector<8x1024xf32> to vector<1x8x1024xf32>
    tpu.vector_store %arg5[%swap3A_1012, %swap3A_1013, %swap3A_1014], %swap3A_1017 {strides = array<i32>} : memref<1x128x4096xf32, #tpu.memory_space<vmem>>, vector<1x8x1024xf32>,
    %get3A_1018 = arith.constant 0 : index
    %get3A_1019 = arith.constant 104 : index
    %get3A_1020 = arith.constant 1024 : index
    %get3A_1021 = vector.load %arg3[%get3A_1018, %get3A_1019, %get3A_1020] : memref<1x128x4096xf32, #tpu.memory_space<vmem>>, vector<1x8x1024xf32>
    %get3A_1022 = vector.shape_cast %get3A_1021 : vector<1x8x1024xf32> to vector<8x1024xf32>
    %mul3A_1023 = vector.broadcast %mul3A_819 : vector<1x1024xf32> to vector<8x1024xf32>
    %mul3A_1024 = arith.mulf %get3A_1022, %mul3A_1023 : vector<8x1024xf32>
    %add3A_1025 = vector.broadcast %mul3A_822 : vector<1x1024xf32> to vector<8x1024xf32>
    %add3A_1026 = arith.addf %mul3A_1024, %add3A_1025 : vector<8x1024xf32>
    %swap3A_1027 = arith.constant 0 : index
    %swap3A_1028 = arith.constant 104 : index
    %swap3A_1029 = arith.constant 1024 : index
    %swap3A_1030 = vector.load %arg5[%swap3A_1027, %swap3A_1028, %swap3A_1029] : memref<1x128x4096xf32, #tpu.memory_space<vmem>>, vector<1x8x1024xf32>
    %swap3A_1031 = vector.shape_cast %swap3A_1030 : vector<1x8x1024xf32> to vector<8x1024xf32>
    %swap3A_1032 = vector.shape_cast %add3A_1026 : vector<8x1024xf32> to vector<1x8x1024xf32>
    tpu.vector_store %arg5[%swap3A_1027, %swap3A_1028, %swap3A_1029], %swap3A_1032 {strides = array<i32>} : memref<1x128x4096xf32, #tpu.memory_space<vmem>>, vector<1x8x1024xf32>,
    %get3A_1033 = arith.constant 0 : index
    %get3A_1034 = arith.constant 112 : index
    %get3A_1035 = arith.constant 1024 : index
    %get3A_1036 = vector.load %arg3[%get3A_1033, %get3A_1034, %get3A_1035] : memref<1x128x4096xf32, #tpu.memory_space<vmem>>, vector<1x8x1024xf32>
    %get3A_1037 = vector.shape_cast %get3A_1036 : vector<1x8x1024xf32> to vector<8x1024xf32>
    %mul3A_1038 = vector.broadcast %mul3A_819 : vector<1x1024xf32> to vector<8x1024xf32>
    %mul3A_1039 = arith.mulf %get3A_1037, %mul3A_1038 : vector<8x1024xf32>
    %add3A_1040 = vector.broadcast %mul3A_822 : vector<1x1024xf32> to vector<8x1024xf32>
    %add3A_1041 = arith.addf %mul3A_1039, %add3A_1040 : vector<8x1024xf32>
    %swap3A_1042 = arith.constant 0 : index
    %swap3A_1043 = arith.constant 112 : index
    %swap3A_1044 = arith.constant 1024 : index
    %swap3A_1045 = vector.load %arg5[%swap3A_1042, %swap3A_1043, %swap3A_1044] : memref<1x128x4096xf32, #tpu.memory_space<vmem>>, vector<1x8x1024xf32>
    %swap3A_1046 = vector.shape_cast %swap3A_1045 : vector<1x8x1024xf32> to vector<8x1024xf32>
    %swap3A_1047 = vector.shape_cast %add3A_1041 : vector<8x1024xf32> to vector<1x8x1024xf32>
    tpu.vector_store %arg5[%swap3A_1042, %swap3A_1043, %swap3A_1044], %swap3A_1047 {strides = array<i32>} : memref<1x128x4096xf32, #tpu.memory_space<vmem>>, vector<1x8x1024xf32>,
    %get3A_1048 = arith.constant 0 : index
    %get3A_1049 = arith.constant 120 : index
    %get3A_1050 = arith.constant 1024 : index
    %get3A_1051 = vector.load %arg3[%get3A_1048, %get3A_1049, %get3A_1050] : memref<1x128x4096xf32, #tpu.memory_space<vmem>>, vector<1x8x1024xf32>
    %get3A_1052 = vector.shape_cast %get3A_1051 : vector<1x8x1024xf32> to vector<8x1024xf32>
    %mul3A_1053 = vector.broadcast %mul3A_819 : vector<1x1024xf32> to vector<8x1024xf32>
    %mul3A_1054 = arith.mulf %get3A_1052, %mul3A_1053 : vector<8x1024xf32>
    %add3A_1055 = vector.broadcast %mul3A_822 : vector<1x1024xf32> to vector<8x1024xf32>
    %add3A_1056 = arith.addf %mul3A_1054, %add3A_1055 : vector<8x1024xf32>
    %swap3A_1057 = arith.constant 0 : index
    %swap3A_1058 = arith.constant 120 : index
    %swap3A_1059 = arith.constant 1024 : index
    %swap3A_1060 = vector.load %arg5[%swap3A_1057, %swap3A_1058, %swap3A_1059] : memref<1x128x4096xf32, #tpu.memory_space<vmem>>, vector<1x8x1024xf32>
    %swap3A_1061 = vector.shape_cast %swap3A_1060 : vector<1x8x1024xf32> to vector<8x1024xf32>
    %swap3A_1062 = vector.shape_cast %add3A_1056 : vector<8x1024xf32> to vector<1x8x1024xf32>
    tpu.vector_store %arg5[%swap3A_1057, %swap3A_1058, %swap3A_1059], %swap3A_1062 {strides = array<i32>} : memref<1x128x4096xf32, #tpu.memory_space<vmem>>, vector<1x8x1024xf32>,
    %get3A_1063 = arith.constant 0 : index
    %get3A_1064 = arith.constant 0 : index
    %get3A_1065 = arith.constant 2048 : index
    %get3A_1066 = vector.load %arg4[%get3A_1063, %get3A_1064, %get3A_1065] : memref<1x128x4096xf32, #tpu.memory_space<vmem>>, vector<1x8x1024xf32>
    %get3A_1067 = vector.shape_cast %get3A_1066 : vector<1x8x1024xf32> to vector<8x1024xf32>
    %mul3A_1068 = arith.mulf %get3A_1067, %get3A_1067 : vector<8x1024xf32>
    %get3A_1069 = arith.constant 0 : index
    %get3A_1070 = arith.constant 8 : index
    %get3A_1071 = arith.constant 2048 : index
    %get3A_1072 = vector.load %arg4[%get3A_1069, %get3A_1070, %get3A_1071] : memref<1x128x4096xf32, #tpu.memory_space<vmem>>, vector<1x8x1024xf32>
    %get3A_1073 = vector.shape_cast %get3A_1072 : vector<1x8x1024xf32> to vector<8x1024xf32>
    %add3A_1074 = arith.addf %get3A_1067, %get3A_1073 : vector<8x1024xf32>
    %mul3A_1075 = arith.mulf %get3A_1073, %get3A_1073 : vector<8x1024xf32>
    %add3A_1076 = arith.addf %mul3A_1068, %mul3A_1075 : vector<8x1024xf32>
    %get3A_1077 = arith.constant 0 : index
    %get3A_1078 = arith.constant 16 : index
    %get3A_1079 = arith.constant 2048 : index
    %get3A_1080 = vector.load %arg4[%get3A_1077, %get3A_1078, %get3A_1079] : memref<1x128x4096xf32, #tpu.memory_space<vmem>>, vector<1x8x1024xf32>
    %get3A_1081 = vector.shape_cast %get3A_1080 : vector<1x8x1024xf32> to vector<8x1024xf32>
    %add3A_1082 = arith.addf %add3A_1074, %get3A_1081 : vector<8x1024xf32>
    %mul3A_1083 = arith.mulf %get3A_1081, %get3A_1081 : vector<8x1024xf32>
    %add3A_1084 = arith.addf %add3A_1076, %mul3A_1083 : vector<8x1024xf32>
    %get3A_1085 = arith.constant 0 : index
    %get3A_1086 = arith.constant 24 : index
    %get3A_1087 = arith.constant 2048 : index
    %get3A_1088 = vector.load %arg4[%get3A_1085, %get3A_1086, %get3A_1087] : memref<1x128x4096xf32, #tpu.memory_space<vmem>>, vector<1x8x1024xf32>
    %get3A_1089 = vector.shape_cast %get3A_1088 : vector<1x8x1024xf32> to vector<8x1024xf32>
    %add3A_1090 = arith.addf %add3A_1082, %get3A_1089 : vector<8x1024xf32>
    %mul3A_1091 = arith.mulf %get3A_1089, %get3A_1089 : vector<8x1024xf32>
    %add3A_1092 = arith.addf %add3A_1084, %mul3A_1091 : vector<8x1024xf32>
    %get3A_1093 = arith.constant 0 : index
    %get3A_1094 = arith.constant 32 : index
    %get3A_1095 = arith.constant 2048 : index
    %get3A_1096 = vector.load %arg4[%get3A_1093, %get3A_1094, %get3A_1095] : memref<1x128x4096xf32, #tpu.memory_space<vmem>>, vector<1x8x1024xf32>
    %get3A_1097 = vector.shape_cast %get3A_1096 : vector<1x8x1024xf32> to vector<8x1024xf32>
    %add3A_1098 = arith.addf %add3A_1090, %get3A_1097 : vector<8x1024xf32>
    %mul3A_1099 = arith.mulf %get3A_1097, %get3A_1097 : vector<8x1024xf32>
    %add3A_1100 = arith.addf %add3A_1092, %mul3A_1099 : vector<8x1024xf32>
    %get3A_1101 = arith.constant 0 : index
    %get3A_1102 = arith.constant 40 : index
    %get3A_1103 = arith.constant 2048 : index
    %get3A_1104 = vector.load %arg4[%get3A_1101, %get3A_1102, %get3A_1103] : memref<1x128x4096xf32, #tpu.memory_space<vmem>>, vector<1x8x1024xf32>
    %get3A_1105 = vector.shape_cast %get3A_1104 : vector<1x8x1024xf32> to vector<8x1024xf32>
    %add3A_1106 = arith.addf %add3A_1098, %get3A_1105 : vector<8x1024xf32>
    %mul3A_1107 = arith.mulf %get3A_1105, %get3A_1105 : vector<8x1024xf32>
    %add3A_1108 = arith.addf %add3A_1100, %mul3A_1107 : vector<8x1024xf32>
    %get3A_1109 = arith.constant 0 : index
    %get3A_1110 = arith.constant 48 : index
    %get3A_1111 = arith.constant 2048 : index
    %get3A_1112 = vector.load %arg4[%get3A_1109, %get3A_1110, %get3A_1111] : memref<1x128x4096xf32, #tpu.memory_space<vmem>>, vector<1x8x1024xf32>
    %get3A_1113 = vector.shape_cast %get3A_1112 : vector<1x8x1024xf32> to vector<8x1024xf32>
    %add3A_1114 = arith.addf %add3A_1106, %get3A_1113 : vector<8x1024xf32>
    %mul3A_1115 = arith.mulf %get3A_1113, %get3A_1113 : vector<8x1024xf32>
    %add3A_1116 = arith.addf %add3A_1108, %mul3A_1115 : vector<8x1024xf32>
    %get3A_1117 = arith.constant 0 : index
    %get3A_1118 = arith.constant 56 : index
    %get3A_1119 = arith.constant 2048 : index
    %get3A_1120 = vector.load %arg4[%get3A_1117, %get3A_1118, %get3A_1119] : memref<1x128x4096xf32, #tpu.memory_space<vmem>>, vector<1x8x1024xf32>
    %get3A_1121 = vector.shape_cast %get3A_1120 : vector<1x8x1024xf32> to vector<8x1024xf32>
    %add3A_1122 = arith.addf %add3A_1114, %get3A_1121 : vector<8x1024xf32>
    %mul3A_1123 = arith.mulf %get3A_1121, %get3A_1121 : vector<8x1024xf32>
    %add3A_1124 = arith.addf %add3A_1116, %mul3A_1123 : vector<8x1024xf32>
    %get3A_1125 = arith.constant 0 : index
    %get3A_1126 = arith.constant 64 : index
    %get3A_1127 = arith.constant 2048 : index
    %get3A_1128 = vector.load %arg4[%get3A_1125, %get3A_1126, %get3A_1127] : memref<1x128x4096xf32, #tpu.memory_space<vmem>>, vector<1x8x1024xf32>
    %get3A_1129 = vector.shape_cast %get3A_1128 : vector<1x8x1024xf32> to vector<8x1024xf32>
    %add3A_1130 = arith.addf %add3A_1122, %get3A_1129 : vector<8x1024xf32>
    %mul3A_1131 = arith.mulf %get3A_1129, %get3A_1129 : vector<8x1024xf32>
    %add3A_1132 = arith.addf %add3A_1124, %mul3A_1131 : vector<8x1024xf32>
    %get3A_1133 = arith.constant 0 : index
    %get3A_1134 = arith.constant 72 : index
    %get3A_1135 = arith.constant 2048 : index
    %get3A_1136 = vector.load %arg4[%get3A_1133, %get3A_1134, %get3A_1135] : memref<1x128x4096xf32, #tpu.memory_space<vmem>>, vector<1x8x1024xf32>
    %get3A_1137 = vector.shape_cast %get3A_1136 : vector<1x8x1024xf32> to vector<8x1024xf32>
    %add3A_1138 = arith.addf %add3A_1130, %get3A_1137 : vector<8x1024xf32>
    %mul3A_1139 = arith.mulf %get3A_1137, %get3A_1137 : vector<8x1024xf32>
    %add3A_1140 = arith.addf %add3A_1132, %mul3A_1139 : vector<8x1024xf32>
    %get3A_1141 = arith.constant 0 : index
    %get3A_1142 = arith.constant 80 : index
    %get3A_1143 = arith.constant 2048 : index
    %get3A_1144 = vector.load %arg4[%get3A_1141, %get3A_1142, %get3A_1143] : memref<1x128x4096xf32, #tpu.memory_space<vmem>>, vector<1x8x1024xf32>
    %get3A_1145 = vector.shape_cast %get3A_1144 : vector<1x8x1024xf32> to vector<8x1024xf32>
    %add3A_1146 = arith.addf %add3A_1138, %get3A_1145 : vector<8x1024xf32>
    %mul3A_1147 = arith.mulf %get3A_1145, %get3A_1145 : vector<8x1024xf32>
    %add3A_1148 = arith.addf %add3A_1140, %mul3A_1147 : vector<8x1024xf32>
    %get3A_1149 = arith.constant 0 : index
    %get3A_1150 = arith.constant 88 : index
    %get3A_1151 = arith.constant 2048 : index
    %get3A_1152 = vector.load %arg4[%get3A_1149, %get3A_1150, %get3A_1151] : memref<1x128x4096xf32, #tpu.memory_space<vmem>>, vector<1x8x1024xf32>
    %get3A_1153 = vector.shape_cast %get3A_1152 : vector<1x8x1024xf32> to vector<8x1024xf32>
    %add3A_1154 = arith.addf %add3A_1146, %get3A_1153 : vector<8x1024xf32>
    %mul3A_1155 = arith.mulf %get3A_1153, %get3A_1153 : vector<8x1024xf32>
    %add3A_1156 = arith.addf %add3A_1148, %mul3A_1155 : vector<8x1024xf32>
    %get3A_1157 = arith.constant 0 : index
    %get3A_1158 = arith.constant 96 : index
    %get3A_1159 = arith.constant 2048 : index
    %get3A_1160 = vector.load %arg4[%get3A_1157, %get3A_1158, %get3A_1159] : memref<1x128x4096xf32, #tpu.memory_space<vmem>>, vector<1x8x1024xf32>
    %get3A_1161 = vector.shape_cast %get3A_1160 : vector<1x8x1024xf32> to vector<8x1024xf32>
    %add3A_1162 = arith.addf %add3A_1154, %get3A_1161 : vector<8x1024xf32>
    %mul3A_1163 = arith.mulf %get3A_1161, %get3A_1161 : vector<8x1024xf32>
    %add3A_1164 = arith.addf %add3A_1156, %mul3A_1163 : vector<8x1024xf32>
    %get3A_1165 = arith.constant 0 : index
    %get3A_1166 = arith.constant 104 : index
    %get3A_1167 = arith.constant 2048 : index
    %get3A_1168 = vector.load %arg4[%get3A_1165, %get3A_1166, %get3A_1167] : memref<1x128x4096xf32, #tpu.memory_space<vmem>>, vector<1x8x1024xf32>
    %get3A_1169 = vector.shape_cast %get3A_1168 : vector<1x8x1024xf32> to vector<8x1024xf32>
    %add3A_1170 = arith.addf %add3A_1162, %get3A_1169 : vector<8x1024xf32>
    %mul3A_1171 = arith.mulf %get3A_1169, %get3A_1169 : vector<8x1024xf32>
    %add3A_1172 = arith.addf %add3A_1164, %mul3A_1171 : vector<8x1024xf32>
    %get3A_1173 = arith.constant 0 : index
    %get3A_1174 = arith.constant 112 : index
    %get3A_1175 = arith.constant 2048 : index
    %get3A_1176 = vector.load %arg4[%get3A_1173, %get3A_1174, %get3A_1175] : memref<1x128x4096xf32, #tpu.memory_space<vmem>>, vector<1x8x1024xf32>
    %get3A_1177 = vector.shape_cast %get3A_1176 : vector<1x8x1024xf32> to vector<8x1024xf32>
    %add3A_1178 = arith.addf %add3A_1170, %get3A_1177 : vector<8x1024xf32>
    %mul3A_1179 = arith.mulf %get3A_1177, %get3A_1177 : vector<8x1024xf32>
    %add3A_1180 = arith.addf %add3A_1172, %mul3A_1179 : vector<8x1024xf32>
    %get3A_1181 = arith.constant 0 : index
    %get3A_1182 = arith.constant 120 : index
    %get3A_1183 = arith.constant 2048 : index
    %get3A_1184 = vector.load %arg4[%get3A_1181, %get3A_1182, %get3A_1183] : memref<1x128x4096xf32, #tpu.memory_space<vmem>>, vector<1x8x1024xf32>
    %get3A_1185 = vector.shape_cast %get3A_1184 : vector<1x8x1024xf32> to vector<8x1024xf32>
    %add3A_1186 = arith.addf %add3A_1178, %get3A_1185 : vector<8x1024xf32>
    %mul3A_1187 = arith.mulf %get3A_1185, %get3A_1185 : vector<8x1024xf32>
    %add3A_1188 = arith.addf %add3A_1180, %mul3A_1187 : vector<8x1024xf32>
    %reduce_sum3A_1189 = arith.constant dense<0.000000e+00> : vector<1024xf32>
    %reduce_sum3A_1190 = vector.multi_reduction <add>, %add3A_1186, %reduce_sum3A_1189 [0] : vector<8x1024xf32> to vector<1024xf32>
    %broadcast_in_dim3A_1191 = vector.shape_cast %reduce_sum3A_1190 : vector<1024xf32> to vector<1x1024xf32>
    %reduce_sum3A_1192 = arith.constant dense<0.000000e+00> : vector<1024xf32>
    %reduce_sum3A_1193 = vector.multi_reduction <add>, %add3A_1188, %reduce_sum3A_1192 [0] : vector<8x1024xf32> to vector<1024xf32>
    %broadcast_in_dim3A_1194 = vector.shape_cast %reduce_sum3A_1193 : vector<1024xf32> to vector<1x1024xf32>
    %get3A_1195 = arith.constant 0 : index
    %get3A_1196 = arith.constant 0 : index
    %get3A_1197 = arith.constant 2048 : index
    %get3A_1198 = vector.load %arg3[%get3A_1195, %get3A_1196, %get3A_1197] : memref<1x128x4096xf32, #tpu.memory_space<vmem>>, vector<1x8x1024xf32>
    %get3A_1199 = vector.shape_cast %get3A_1198 : vector<1x8x1024xf32> to vector<8x1024xf32>
    %mul3A_1200 = arith.mulf %get3A_1199, %get3A_1199 : vector<8x1024xf32>
    %get3A_1201 = arith.constant 0 : index
    %get3A_1202 = arith.constant 8 : index
    %get3A_1203 = arith.constant 2048 : index
    %get3A_1204 = vector.load %arg3[%get3A_1201, %get3A_1202, %get3A_1203] : memref<1x128x4096xf32, #tpu.memory_space<vmem>>, vector<1x8x1024xf32>
    %get3A_1205 = vector.shape_cast %get3A_1204 : vector<1x8x1024xf32> to vector<8x1024xf32>
    %add3A_1206 = arith.addf %get3A_1199, %get3A_1205 : vector<8x1024xf32>
    %mul3A_1207 = arith.mulf %get3A_1205, %get3A_1205 : vector<8x1024xf32>
    %add3A_1208 = arith.addf %mul3A_1200, %mul3A_1207 : vector<8x1024xf32>
    %get3A_1209 = arith.constant 0 : index
    %get3A_1210 = arith.constant 16 : index
    %get3A_1211 = arith.constant 2048 : index
    %get3A_1212 = vector.load %arg3[%get3A_1209, %get3A_1210, %get3A_1211] : memref<1x128x4096xf32, #tpu.memory_space<vmem>>, vector<1x8x1024xf32>
    %get3A_1213 = vector.shape_cast %get3A_1212 : vector<1x8x1024xf32> to vector<8x1024xf32>
    %add3A_1214 = arith.addf %add3A_1206, %get3A_1213 : vector<8x1024xf32>
    %mul3A_1215 = arith.mulf %get3A_1213, %get3A_1213 : vector<8x1024xf32>
    %add3A_1216 = arith.addf %add3A_1208, %mul3A_1215 : vector<8x1024xf32>
    %get3A_1217 = arith.constant 0 : index
    %get3A_1218 = arith.constant 24 : index
    %get3A_1219 = arith.constant 2048 : index
    %get3A_1220 = vector.load %arg3[%get3A_1217, %get3A_1218, %get3A_1219] : memref<1x128x4096xf32, #tpu.memory_space<vmem>>, vector<1x8x1024xf32>
    %get3A_1221 = vector.shape_cast %get3A_1220 : vector<1x8x1024xf32> to vector<8x1024xf32>
    %add3A_1222 = arith.addf %add3A_1214, %get3A_1221 : vector<8x1024xf32>
    %mul3A_1223 = arith.mulf %get3A_1221, %get3A_1221 : vector<8x1024xf32>
    %add3A_1224 = arith.addf %add3A_1216, %mul3A_1223 : vector<8x1024xf32>
    %get3A_1225 = arith.constant 0 : index
    %get3A_1226 = arith.constant 32 : index
    %get3A_1227 = arith.constant 2048 : index
    %get3A_1228 = vector.load %arg3[%get3A_1225, %get3A_1226, %get3A_1227] : memref<1x128x4096xf32, #tpu.memory_space<vmem>>, vector<1x8x1024xf32>
    %get3A_1229 = vector.shape_cast %get3A_1228 : vector<1x8x1024xf32> to vector<8x1024xf32>
    %add3A_1230 = arith.addf %add3A_1222, %get3A_1229 : vector<8x1024xf32>
    %mul3A_1231 = arith.mulf %get3A_1229, %get3A_1229 : vector<8x1024xf32>
    %add3A_1232 = arith.addf %add3A_1224, %mul3A_1231 : vector<8x1024xf32>
    %get3A_1233 = arith.constant 0 : index
    %get3A_1234 = arith.constant 40 : index
    %get3A_1235 = arith.constant 2048 : index
    %get3A_1236 = vector.load %arg3[%get3A_1233, %get3A_1234, %get3A_1235] : memref<1x128x4096xf32, #tpu.memory_space<vmem>>, vector<1x8x1024xf32>
    %get3A_1237 = vector.shape_cast %get3A_1236 : vector<1x8x1024xf32> to vector<8x1024xf32>
    %add3A_1238 = arith.addf %add3A_1230, %get3A_1237 : vector<8x1024xf32>
    %mul3A_1239 = arith.mulf %get3A_1237, %get3A_1237 : vector<8x1024xf32>
    %add3A_1240 = arith.addf %add3A_1232, %mul3A_1239 : vector<8x1024xf32>
    %get3A_1241 = arith.constant 0 : index
    %get3A_1242 = arith.constant 48 : index
    %get3A_1243 = arith.constant 2048 : index
    %get3A_1244 = vector.load %arg3[%get3A_1241, %get3A_1242, %get3A_1243] : memref<1x128x4096xf32, #tpu.memory_space<vmem>>, vector<1x8x1024xf32>
    %get3A_1245 = vector.shape_cast %get3A_1244 : vector<1x8x1024xf32> to vector<8x1024xf32>
    %add3A_1246 = arith.addf %add3A_1238, %get3A_1245 : vector<8x1024xf32>
    %mul3A_1247 = arith.mulf %get3A_1245, %get3A_1245 : vector<8x1024xf32>
    %add3A_1248 = arith.addf %add3A_1240, %mul3A_1247 : vector<8x1024xf32>
    %get3A_1249 = arith.constant 0 : index
    %get3A_1250 = arith.constant 56 : index
    %get3A_1251 = arith.constant 2048 : index
    %get3A_1252 = vector.load %arg3[%get3A_1249, %get3A_1250, %get3A_1251] : memref<1x128x4096xf32, #tpu.memory_space<vmem>>, vector<1x8x1024xf32>
    %get3A_1253 = vector.shape_cast %get3A_1252 : vector<1x8x1024xf32> to vector<8x1024xf32>
    %add3A_1254 = arith.addf %add3A_1246, %get3A_1253 : vector<8x1024xf32>
    %mul3A_1255 = arith.mulf %get3A_1253, %get3A_1253 : vector<8x1024xf32>
    %add3A_1256 = arith.addf %add3A_1248, %mul3A_1255 : vector<8x1024xf32>
    %get3A_1257 = arith.constant 0 : index
    %get3A_1258 = arith.constant 64 : index
    %get3A_1259 = arith.constant 2048 : index
    %get3A_1260 = vector.load %arg3[%get3A_1257, %get3A_1258, %get3A_1259] : memref<1x128x4096xf32, #tpu.memory_space<vmem>>, vector<1x8x1024xf32>
    %get3A_1261 = vector.shape_cast %get3A_1260 : vector<1x8x1024xf32> to vector<8x1024xf32>
    %add3A_1262 = arith.addf %add3A_1254, %get3A_1261 : vector<8x1024xf32>
    %mul3A_1263 = arith.mulf %get3A_1261, %get3A_1261 : vector<8x1024xf32>
    %add3A_1264 = arith.addf %add3A_1256, %mul3A_1263 : vector<8x1024xf32>
    %get3A_1265 = arith.constant 0 : index
    %get3A_1266 = arith.constant 72 : index
    %get3A_1267 = arith.constant 2048 : index
    %get3A_1268 = vector.load %arg3[%get3A_1265, %get3A_1266, %get3A_1267] : memref<1x128x4096xf32, #tpu.memory_space<vmem>>, vector<1x8x1024xf32>
    %get3A_1269 = vector.shape_cast %get3A_1268 : vector<1x8x1024xf32> to vector<8x1024xf32>
    %add3A_1270 = arith.addf %add3A_1262, %get3A_1269 : vector<8x1024xf32>
    %mul3A_1271 = arith.mulf %get3A_1269, %get3A_1269 : vector<8x1024xf32>
    %add3A_1272 = arith.addf %add3A_1264, %mul3A_1271 : vector<8x1024xf32>
    %get3A_1273 = arith.constant 0 : index
    %get3A_1274 = arith.constant 80 : index
    %get3A_1275 = arith.constant 2048 : index
    %get3A_1276 = vector.load %arg3[%get3A_1273, %get3A_1274, %get3A_1275] : memref<1x128x4096xf32, #tpu.memory_space<vmem>>, vector<1x8x1024xf32>
    %get3A_1277 = vector.shape_cast %get3A_1276 : vector<1x8x1024xf32> to vector<8x1024xf32>
    %add3A_1278 = arith.addf %add3A_1270, %get3A_1277 : vector<8x1024xf32>
    %mul3A_1279 = arith.mulf %get3A_1277, %get3A_1277 : vector<8x1024xf32>
    %add3A_1280 = arith.addf %add3A_1272, %mul3A_1279 : vector<8x1024xf32>
    %get3A_1281 = arith.constant 0 : index
    %get3A_1282 = arith.constant 88 : index
    %get3A_1283 = arith.constant 2048 : index
    %get3A_1284 = vector.load %arg3[%get3A_1281, %get3A_1282, %get3A_1283] : memref<1x128x4096xf32, #tpu.memory_space<vmem>>, vector<1x8x1024xf32>
    %get3A_1285 = vector.shape_cast %get3A_1284 : vector<1x8x1024xf32> to vector<8x1024xf32>
    %add3A_1286 = arith.addf %add3A_1278, %get3A_1285 : vector<8x1024xf32>
    %mul3A_1287 = arith.mulf %get3A_1285, %get3A_1285 : vector<8x1024xf32>
    %add3A_1288 = arith.addf %add3A_1280, %mul3A_1287 : vector<8x1024xf32>
    %get3A_1289 = arith.constant 0 : index
    %get3A_1290 = arith.constant 96 : index
    %get3A_1291 = arith.constant 2048 : index
    %get3A_1292 = vector.load %arg3[%get3A_1289, %get3A_1290, %get3A_1291] : memref<1x128x4096xf32, #tpu.memory_space<vmem>>, vector<1x8x1024xf32>
    %get3A_1293 = vector.shape_cast %get3A_1292 : vector<1x8x1024xf32> to vector<8x1024xf32>
    %add3A_1294 = arith.addf %add3A_1286, %get3A_1293 : vector<8x1024xf32>
    %mul3A_1295 = arith.mulf %get3A_1293, %get3A_1293 : vector<8x1024xf32>
    %add3A_1296 = arith.addf %add3A_1288, %mul3A_1295 : vector<8x1024xf32>
    %get3A_1297 = arith.constant 0 : index
    %get3A_1298 = arith.constant 104 : index
    %get3A_1299 = arith.constant 2048 : index
    %get3A_1300 = vector.load %arg3[%get3A_1297, %get3A_1298, %get3A_1299] : memref<1x128x4096xf32, #tpu.memory_space<vmem>>, vector<1x8x1024xf32>
    %get3A_1301 = vector.shape_cast %get3A_1300 : vector<1x8x1024xf32> to vector<8x1024xf32>
    %add3A_1302 = arith.addf %add3A_1294, %get3A_1301 : vector<8x1024xf32>
    %mul3A_1303 = arith.mulf %get3A_1301, %get3A_1301 : vector<8x1024xf32>
    %add3A_1304 = arith.addf %add3A_1296, %mul3A_1303 : vector<8x1024xf32>
    %get3A_1305 = arith.constant 0 : index
    %get3A_1306 = arith.constant 112 : index
    %get3A_1307 = arith.constant 2048 : index
    %get3A_1308 = vector.load %arg3[%get3A_1305, %get3A_1306, %get3A_1307] : memref<1x128x4096xf32, #tpu.memory_space<vmem>>, vector<1x8x1024xf32>
    %get3A_1309 = vector.shape_cast %get3A_1308 : vector<1x8x1024xf32> to vector<8x1024xf32>
    %add3A_1310 = arith.addf %add3A_1302, %get3A_1309 : vector<8x1024xf32>
    %mul3A_1311 = arith.mulf %get3A_1309, %get3A_1309 : vector<8x1024xf32>
    %add3A_1312 = arith.addf %add3A_1304, %mul3A_1311 : vector<8x1024xf32>
    %get3A_1313 = arith.constant 0 : index
    %get3A_1314 = arith.constant 120 : index
    %get3A_1315 = arith.constant 2048 : index
    %get3A_1316 = vector.load %arg3[%get3A_1313, %get3A_1314, %get3A_1315] : memref<1x128x4096xf32, #tpu.memory_space<vmem>>, vector<1x8x1024xf32>
    %get3A_1317 = vector.shape_cast %get3A_1316 : vector<1x8x1024xf32> to vector<8x1024xf32>
    %add3A_1318 = arith.addf %add3A_1310, %get3A_1317 : vector<8x1024xf32>
    %mul3A_1319 = arith.mulf %get3A_1317, %get3A_1317 : vector<8x1024xf32>
    %add3A_1320 = arith.addf %add3A_1312, %mul3A_1319 : vector<8x1024xf32>
    %reduce_sum3A_1321 = arith.constant dense<0.000000e+00> : vector<1024xf32>
    %reduce_sum3A_1322 = vector.multi_reduction <add>, %add3A_1318, %reduce_sum3A_1321 [0] : vector<8x1024xf32> to vector<1024xf32>
    %broadcast_in_dim3A_1323 = vector.shape_cast %reduce_sum3A_1322 : vector<1024xf32> to vector<1x1024xf32>
    %reduce_sum3A_1324 = arith.constant dense<0.000000e+00> : vector<1024xf32>
    %reduce_sum3A_1325 = vector.multi_reduction <add>, %add3A_1320, %reduce_sum3A_1324 [0] : vector<8x1024xf32> to vector<1024xf32>
    %broadcast_in_dim3A_1326 = vector.shape_cast %reduce_sum3A_1325 : vector<1024xf32> to vector<1x1024xf32>
    %mul3A_1327 = arith.constant 7.812500e-03 : f32
    %mul3A_1328 = vector.broadcast %mul3A_1327 : f32 to vector<1x1024xf32>
    %mul3A_1329 = arith.mulf %broadcast_in_dim3A_1191, %mul3A_1328 : vector<1x1024xf32>
    %mul3A_1330 = arith.mulf %broadcast_in_dim3A_1191, %mul3A_1329 : vector<1x1024xf32>
    %sub3A_1331 = arith.subf %broadcast_in_dim3A_1194, %mul3A_1330 : vector<1x1024xf32>
    %mul3A_1332 = arith.constant 0.00787401571 : f32
    %mul3A_1333 = vector.broadcast %mul3A_1332 : f32 to vector<1x1024xf32>
    %mul3A_1334 = arith.mulf %sub3A_1331, %mul3A_1333 : vector<1x1024xf32>
    %mul3A_1335 = arith.constant 7.812500e-03 : f32
    %mul3A_1336 = vector.broadcast %mul3A_1335 : f32 to vector<1x1024xf32>
    %mul3A_1337 = arith.mulf %broadcast_in_dim3A_1323, %mul3A_1336 : vector<1x1024xf32>
    %mul3A_1338 = arith.mulf %broadcast_in_dim3A_1323, %mul3A_1337 : vector<1x1024xf32>
    %sub3A_1339 = arith.subf %broadcast_in_dim3A_1326, %mul3A_1338 : vector<1x1024xf32>
    %mul3A_1340 = arith.constant 0.00787401571 : f32
    %mul3A_1341 = vector.broadcast %mul3A_1340 : f32 to vector<1x1024xf32>
    %mul3A_1342 = arith.mulf %sub3A_1339, %mul3A_1341 : vector<1x1024xf32>
    %add3A_1343 = arith.constant 9.99999974E-6 : f32
    %add3A_1344 = vector.broadcast %add3A_1343 : f32 to vector<1x1024xf32>
    %add3A_1345 = arith.addf %mul3A_1334, %add3A_1344 : vector<1x1024xf32>
    %add3A_1346 = arith.constant 9.99999974E-6 : f32
    %add3A_1347 = vector.broadcast %add3A_1346 : f32 to vector<1x1024xf32>
    %add3A_1348 = arith.addf %mul3A_1342, %add3A_1347 : vector<1x1024xf32>
    %div3A_1349 = arith.divf %add3A_1345, %add3A_1348 : vector<1x1024xf32>
    %sqrt3A_1350 = math.sqrt %div3A_1349 : vector<1x1024xf32>
    %mul3A_1351 = arith.mulf %mul3A_1337, %sqrt3A_1350 : vector<1x1024xf32>
    %sub3A_1352 = arith.subf %mul3A_1329, %mul3A_1351 : vector<1x1024xf32>
    %mul3A_1353 = arith.constant 0.999999821 : f32
    %mul3A_1354 = vector.broadcast %mul3A_1353 : f32 to vector<1x1024xf32>
    %mul3A_1355 = arith.mulf %sqrt3A_1350, %mul3A_1354 : vector<1x1024xf32>
    %mul3A_1356 = arith.constant 0.999999821 : f32
    %mul3A_1357 = vector.broadcast %mul3A_1356 : f32 to vector<1x1024xf32>
    %mul3A_1358 = arith.mulf %sub3A_1352, %mul3A_1357 : vector<1x1024xf32>
    %get3A_1359 = arith.constant 0 : index
    %get3A_1360 = arith.constant 0 : index
    %get3A_1361 = arith.constant 2048 : index
    %get3A_1362 = vector.load %arg3[%get3A_1359, %get3A_1360, %get3A_1361] : memref<1x128x4096xf32, #tpu.memory_space<vmem>>, vector<1x8x1024xf32>
    %get3A_1363 = vector.shape_cast %get3A_1362 : vector<1x8x1024xf32> to vector<8x1024xf32>
    %mul3A_1364 = vector.broadcast %mul3A_1355 : vector<1x1024xf32> to vector<8x1024xf32>
    %mul3A_1365 = arith.mulf %get3A_1363, %mul3A_1364 : vector<8x1024xf32>
    %add3A_1366 = vector.broadcast %mul3A_1358 : vector<1x1024xf32> to vector<8x1024xf32>
    %add3A_1367 = arith.addf %mul3A_1365, %add3A_1366 : vector<8x1024xf32>
    %swap3A_1368 = arith.constant 0 : index
    %swap3A_1369 = arith.constant 0 : index
    %swap3A_1370 = arith.constant 2048 : index
    %swap3A_1371 = vector.load %arg5[%swap3A_1368, %swap3A_1369, %swap3A_1370] : memref<1x128x4096xf32, #tpu.memory_space<vmem>>, vector<1x8x1024xf32>
    %swap3A_1372 = vector.shape_cast %swap3A_1371 : vector<1x8x1024xf32> to vector<8x1024xf32>
    %swap3A_1373 = vector.shape_cast %add3A_1367 : vector<8x1024xf32> to vector<1x8x1024xf32>
    tpu.vector_store %arg5[%swap3A_1368, %swap3A_1369, %swap3A_1370], %swap3A_1373 {strides = array<i32>} : memref<1x128x4096xf32, #tpu.memory_space<vmem>>, vector<1x8x1024xf32>,
    %get3A_1374 = arith.constant 0 : index
    %get3A_1375 = arith.constant 8 : index
    %get3A_1376 = arith.constant 2048 : index
    %get3A_1377 = vector.load %arg3[%get3A_1374, %get3A_1375, %get3A_1376] : memref<1x128x4096xf32, #tpu.memory_space<vmem>>, vector<1x8x1024xf32>
    %get3A_1378 = vector.shape_cast %get3A_1377 : vector<1x8x1024xf32> to vector<8x1024xf32>
    %mul3A_1379 = vector.broadcast %mul3A_1355 : vector<1x1024xf32> to vector<8x1024xf32>
    %mul3A_1380 = arith.mulf %get3A_1378, %mul3A_1379 : vector<8x1024xf32>
    %add3A_1381 = vector.broadcast %mul3A_1358 : vector<1x1024xf32> to vector<8x1024xf32>
    %add3A_1382 = arith.addf %mul3A_1380, %add3A_1381 : vector<8x1024xf32>
    %swap3A_1383 = arith.constant 0 : index
    %swap3A_1384 = arith.constant 8 : index
    %swap3A_1385 = arith.constant 2048 : index
    %swap3A_1386 = vector.load %arg5[%swap3A_1383, %swap3A_1384, %swap3A_1385] : memref<1x128x4096xf32, #tpu.memory_space<vmem>>, vector<1x8x1024xf32>
    %swap3A_1387 = vector.shape_cast %swap3A_1386 : vector<1x8x1024xf32> to vector<8x1024xf32>
    %swap3A_1388 = vector.shape_cast %add3A_1382 : vector<8x1024xf32> to vector<1x8x1024xf32>
    tpu.vector_store %arg5[%swap3A_1383, %swap3A_1384, %swap3A_1385], %swap3A_1388 {strides = array<i32>} : memref<1x128x4096xf32, #tpu.memory_space<vmem>>, vector<1x8x1024xf32>,
    %get3A_1389 = arith.constant 0 : index
    %get3A_1390 = arith.constant 16 : index
    %get3A_1391 = arith.constant 2048 : index
    %get3A_1392 = vector.load %arg3[%get3A_1389, %get3A_1390, %get3A_1391] : memref<1x128x4096xf32, #tpu.memory_space<vmem>>, vector<1x8x1024xf32>
    %get3A_1393 = vector.shape_cast %get3A_1392 : vector<1x8x1024xf32> to vector<8x1024xf32>
    %mul3A_1394 = vector.broadcast %mul3A_1355 : vector<1x1024xf32> to vector<8x1024xf32>
    %mul3A_1395 = arith.mulf %get3A_1393, %mul3A_1394 : vector<8x1024xf32>
    %add3A_1396 = vector.broadcast %mul3A_1358 : vector<1x1024xf32> to vector<8x1024xf32>
    %add3A_1397 = arith.addf %mul3A_1395, %add3A_1396 : vector<8x1024xf32>
    %swap3A_1398 = arith.constant 0 : index
    %swap3A_1399 = arith.constant 16 : index
    %swap3A_1400 = arith.constant 2048 : index
    %swap3A_1401 = vector.load %arg5[%swap3A_1398, %swap3A_1399, %swap3A_1400] : memref<1x128x4096xf32, #tpu.memory_space<vmem>>, vector<1x8x1024xf32>
    %swap3A_1402 = vector.shape_cast %swap3A_1401 : vector<1x8x1024xf32> to vector<8x1024xf32>
    %swap3A_1403 = vector.shape_cast %add3A_1397 : vector<8x1024xf32> to vector<1x8x1024xf32>
    tpu.vector_store %arg5[%swap3A_1398, %swap3A_1399, %swap3A_1400], %swap3A_1403 {strides = array<i32>} : memref<1x128x4096xf32, #tpu.memory_space<vmem>>, vector<1x8x1024xf32>,
    %get3A_1404 = arith.constant 0 : index
    %get3A_1405 = arith.constant 24 : index
    %get3A_1406 = arith.constant 2048 : index
    %get3A_1407 = vector.load %arg3[%get3A_1404, %get3A_1405, %get3A_1406] : memref<1x128x4096xf32, #tpu.memory_space<vmem>>, vector<1x8x1024xf32>
    %get3A_1408 = vector.shape_cast %get3A_1407 : vector<1x8x1024xf32> to vector<8x1024xf32>
    %mul3A_1409 = vector.broadcast %mul3A_1355 : vector<1x1024xf32> to vector<8x1024xf32>
    %mul3A_1410 = arith.mulf %get3A_1408, %mul3A_1409 : vector<8x1024xf32>
    %add3A_1411 = vector.broadcast %mul3A_1358 : vector<1x1024xf32> to vector<8x1024xf32>
    %add3A_1412 = arith.addf %mul3A_1410, %add3A_1411 : vector<8x1024xf32>
    %swap3A_1413 = arith.constant 0 : index
    %swap3A_1414 = arith.constant 24 : index
    %swap3A_1415 = arith.constant 2048 : index
    %swap3A_1416 = vector.load %arg5[%swap3A_1413, %swap3A_1414, %swap3A_1415] : memref<1x128x4096xf32, #tpu.memory_space<vmem>>, vector<1x8x1024xf32>
    %swap3A_1417 = vector.shape_cast %swap3A_1416 : vector<1x8x1024xf32> to vector<8x1024xf32>
    %swap3A_1418 = vector.shape_cast %add3A_1412 : vector<8x1024xf32> to vector<1x8x1024xf32>
    tpu.vector_store %arg5[%swap3A_1413, %swap3A_1414, %swap3A_1415], %swap3A_1418 {strides = array<i32>} : memref<1x128x4096xf32, #tpu.memory_space<vmem>>, vector<1x8x1024xf32>,
    %get3A_1419 = arith.constant 0 : index
    %get3A_1420 = arith.constant 32 : index
    %get3A_1421 = arith.constant 2048 : index
    %get3A_1422 = vector.load %arg3[%get3A_1419, %get3A_1420, %get3A_1421] : memref<1x128x4096xf32, #tpu.memory_space<vmem>>, vector<1x8x1024xf32>
    %get3A_1423 = vector.shape_cast %get3A_1422 : vector<1x8x1024xf32> to vector<8x1024xf32>
    %mul3A_1424 = vector.broadcast %mul3A_1355 : vector<1x1024xf32> to vector<8x1024xf32>
    %mul3A_1425 = arith.mulf %get3A_1423, %mul3A_1424 : vector<8x1024xf32>
    %add3A_1426 = vector.broadcast %mul3A_1358 : vector<1x1024xf32> to vector<8x1024xf32>
    %add3A_1427 = arith.addf %mul3A_1425, %add3A_1426 : vector<8x1024xf32>
    %swap3A_1428 = arith.constant 0 : index
    %swap3A_1429 = arith.constant 32 : index
    %swap3A_1430 = arith.constant 2048 : index
    %swap3A_1431 = vector.load %arg5[%swap3A_1428, %swap3A_1429, %swap3A_1430] : memref<1x128x4096xf32, #tpu.memory_space<vmem>>, vector<1x8x1024xf32>
    %swap3A_1432 = vector.shape_cast %swap3A_1431 : vector<1x8x1024xf32> to vector<8x1024xf32>
    %swap3A_1433 = vector.shape_cast %add3A_1427 : vector<8x1024xf32> to vector<1x8x1024xf32>
    tpu.vector_store %arg5[%swap3A_1428, %swap3A_1429, %swap3A_1430], %swap3A_1433 {strides = array<i32>} : memref<1x128x4096xf32, #tpu.memory_space<vmem>>, vector<1x8x1024xf32>,
    %get3A_1434 = arith.constant 0 : index
    %get3A_1435 = arith.constant 40 : index
    %get3A_1436 = arith.constant 2048 : index
    %get3A_1437 = vector.load %arg3[%get3A_1434, %get3A_1435, %get3A_1436] : memref<1x128x4096xf32, #tpu.memory_space<vmem>>, vector<1x8x1024xf32>
    %get3A_1438 = vector.shape_cast %get3A_1437 : vector<1x8x1024xf32> to vector<8x1024xf32>
    %mul3A_1439 = vector.broadcast %mul3A_1355 : vector<1x1024xf32> to vector<8x1024xf32>
    %mul3A_1440 = arith.mulf %get3A_1438, %mul3A_1439 : vector<8x1024xf32>
    %add3A_1441 = vector.broadcast %mul3A_1358 : vector<1x1024xf32> to vector<8x1024xf32>
    %add3A_1442 = arith.addf %mul3A_1440, %add3A_1441 : vector<8x1024xf32>
    %swap3A_1443 = arith.constant 0 : index
    %swap3A_1444 = arith.constant 40 : index
    %swap3A_1445 = arith.constant 2048 : index
    %swap3A_1446 = vector.load %arg5[%swap3A_1443, %swap3A_1444, %swap3A_1445] : memref<1x128x4096xf32, #tpu.memory_space<vmem>>, vector<1x8x1024xf32>
    %swap3A_1447 = vector.shape_cast %swap3A_1446 : vector<1x8x1024xf32> to vector<8x1024xf32>
    %swap3A_1448 = vector.shape_cast %add3A_1442 : vector<8x1024xf32> to vector<1x8x1024xf32>
    tpu.vector_store %arg5[%swap3A_1443, %swap3A_1444, %swap3A_1445], %swap3A_1448 {strides = array<i32>} : memref<1x128x4096xf32, #tpu.memory_space<vmem>>, vector<1x8x1024xf32>,
    %get3A_1449 = arith.constant 0 : index
    %get3A_1450 = arith.constant 48 : index
    %get3A_1451 = arith.constant 2048 : index
    %get3A_1452 = vector.load %arg3[%get3A_1449, %get3A_1450, %get3A_1451] : memref<1x128x4096xf32, #tpu.memory_space<vmem>>, vector<1x8x1024xf32>
    %get3A_1453 = vector.shape_cast %get3A_1452 : vector<1x8x1024xf32> to vector<8x1024xf32>
    %mul3A_1454 = vector.broadcast %mul3A_1355 : vector<1x1024xf32> to vector<8x1024xf32>
    %mul3A_1455 = arith.mulf %get3A_1453, %mul3A_1454 : vector<8x1024xf32>
    %add3A_1456 = vector.broadcast %mul3A_1358 : vector<1x1024xf32> to vector<8x1024xf32>
    %add3A_1457 = arith.addf %mul3A_1455, %add3A_1456 : vector<8x1024xf32>
    %swap3A_1458 = arith.constant 0 : index
    %swap3A_1459 = arith.constant 48 : index
    %swap3A_1460 = arith.constant 2048 : index
    %swap3A_1461 = vector.load %arg5[%swap3A_1458, %swap3A_1459, %swap3A_1460] : memref<1x128x4096xf32, #tpu.memory_space<vmem>>, vector<1x8x1024xf32>
    %swap3A_1462 = vector.shape_cast %swap3A_1461 : vector<1x8x1024xf32> to vector<8x1024xf32>
    %swap3A_1463 = vector.shape_cast %add3A_1457 : vector<8x1024xf32> to vector<1x8x1024xf32>
    tpu.vector_store %arg5[%swap3A_1458, %swap3A_1459, %swap3A_1460], %swap3A_1463 {strides = array<i32>} : memref<1x128x4096xf32, #tpu.memory_space<vmem>>, vector<1x8x1024xf32>,
    %get3A_1464 = arith.constant 0 : index
    %get3A_1465 = arith.constant 56 : index
    %get3A_1466 = arith.constant 2048 : index
    %get3A_1467 = vector.load %arg3[%get3A_1464, %get3A_1465, %get3A_1466] : memref<1x128x4096xf32, #tpu.memory_space<vmem>>, vector<1x8x1024xf32>
    %get3A_1468 = vector.shape_cast %get3A_1467 : vector<1x8x1024xf32> to vector<8x1024xf32>
    %mul3A_1469 = vector.broadcast %mul3A_1355 : vector<1x1024xf32> to vector<8x1024xf32>
    %mul3A_1470 = arith.mulf %get3A_1468, %mul3A_1469 : vector<8x1024xf32>
    %add3A_1471 = vector.broadcast %mul3A_1358 : vector<1x1024xf32> to vector<8x1024xf32>
    %add3A_1472 = arith.addf %mul3A_1470, %add3A_1471 : vector<8x1024xf32>
    %swap3A_1473 = arith.constant 0 : index
    %swap3A_1474 = arith.constant 56 : index
    %swap3A_1475 = arith.constant 2048 : index
    %swap3A_1476 = vector.load %arg5[%swap3A_1473, %swap3A_1474, %swap3A_1475] : memref<1x128x4096xf32, #tpu.memory_space<vmem>>, vector<1x8x1024xf32>
    %swap3A_1477 = vector.shape_cast %swap3A_1476 : vector<1x8x1024xf32> to vector<8x1024xf32>
    %swap3A_1478 = vector.shape_cast %add3A_1472 : vector<8x1024xf32> to vector<1x8x1024xf32>
    tpu.vector_store %arg5[%swap3A_1473, %swap3A_1474, %swap3A_1475], %swap3A_1478 {strides = array<i32>} : memref<1x128x4096xf32, #tpu.memory_space<vmem>>, vector<1x8x1024xf32>,
    %get3A_1479 = arith.constant 0 : index
    %get3A_1480 = arith.constant 64 : index
    %get3A_1481 = arith.constant 2048 : index
    %get3A_1482 = vector.load %arg3[%get3A_1479, %get3A_1480, %get3A_1481] : memref<1x128x4096xf32, #tpu.memory_space<vmem>>, vector<1x8x1024xf32>
    %get3A_1483 = vector.shape_cast %get3A_1482 : vector<1x8x1024xf32> to vector<8x1024xf32>
    %mul3A_1484 = vector.broadcast %mul3A_1355 : vector<1x1024xf32> to vector<8x1024xf32>
    %mul3A_1485 = arith.mulf %get3A_1483, %mul3A_1484 : vector<8x1024xf32>
    %add3A_1486 = vector.broadcast %mul3A_1358 : vector<1x1024xf32> to vector<8x1024xf32>
    %add3A_1487 = arith.addf %mul3A_1485, %add3A_1486 : vector<8x1024xf32>
    %swap3A_1488 = arith.constant 0 : index
    %swap3A_1489 = arith.constant 64 : index
    %swap3A_1490 = arith.constant 2048 : index
    %swap3A_1491 = vector.load %arg5[%swap3A_1488, %swap3A_1489, %swap3A_1490] : memref<1x128x4096xf32, #tpu.memory_space<vmem>>, vector<1x8x1024xf32>
    %swap3A_1492 = vector.shape_cast %swap3A_1491 : vector<1x8x1024xf32> to vector<8x1024xf32>
    %swap3A_1493 = vector.shape_cast %add3A_1487 : vector<8x1024xf32> to vector<1x8x1024xf32>
    tpu.vector_store %arg5[%swap3A_1488, %swap3A_1489, %swap3A_1490], %swap3A_1493 {strides = array<i32>} : memref<1x128x4096xf32, #tpu.memory_space<vmem>>, vector<1x8x1024xf32>,
    %get3A_1494 = arith.constant 0 : index
    %get3A_1495 = arith.constant 72 : index
    %get3A_1496 = arith.constant 2048 : index
    %get3A_1497 = vector.load %arg3[%get3A_1494, %get3A_1495, %get3A_1496] : memref<1x128x4096xf32, #tpu.memory_space<vmem>>, vector<1x8x1024xf32>
    %get3A_1498 = vector.shape_cast %get3A_1497 : vector<1x8x1024xf32> to vector<8x1024xf32>
    %mul3A_1499 = vector.broadcast %mul3A_1355 : vector<1x1024xf32> to vector<8x1024xf32>
    %mul3A_1500 = arith.mulf %get3A_1498, %mul3A_1499 : vector<8x1024xf32>
    %add3A_1501 = vector.broadcast %mul3A_1358 : vector<1x1024xf32> to vector<8x1024xf32>
    %add3A_1502 = arith.addf %mul3A_1500, %add3A_1501 : vector<8x1024xf32>
    %swap3A_1503 = arith.constant 0 : index
    %swap3A_1504 = arith.constant 72 : index
    %swap3A_1505 = arith.constant 2048 : index
    %swap3A_1506 = vector.load %arg5[%swap3A_1503, %swap3A_1504, %swap3A_1505] : memref<1x128x4096xf32, #tpu.memory_space<vmem>>, vector<1x8x1024xf32>
    %swap3A_1507 = vector.shape_cast %swap3A_1506 : vector<1x8x1024xf32> to vector<8x1024xf32>
    %swap3A_1508 = vector.shape_cast %add3A_1502 : vector<8x1024xf32> to vector<1x8x1024xf32>
    tpu.vector_store %arg5[%swap3A_1503, %swap3A_1504, %swap3A_1505], %swap3A_1508 {strides = array<i32>} : memref<1x128x4096xf32, #tpu.memory_space<vmem>>, vector<1x8x1024xf32>,
    %get3A_1509 = arith.constant 0 : index
    %get3A_1510 = arith.constant 80 : index
    %get3A_1511 = arith.constant 2048 : index
    %get3A_1512 = vector.load %arg3[%get3A_1509, %get3A_1510, %get3A_1511] : memref<1x128x4096xf32, #tpu.memory_space<vmem>>, vector<1x8x1024xf32>
    %get3A_1513 = vector.shape_cast %get3A_1512 : vector<1x8x1024xf32> to vector<8x1024xf32>
    %mul3A_1514 = vector.broadcast %mul3A_1355 : vector<1x1024xf32> to vector<8x1024xf32>
    %mul3A_1515 = arith.mulf %get3A_1513, %mul3A_1514 : vector<8x1024xf32>
    %add3A_1516 = vector.broadcast %mul3A_1358 : vector<1x1024xf32> to vector<8x1024xf32>
    %add3A_1517 = arith.addf %mul3A_1515, %add3A_1516 : vector<8x1024xf32>
    %swap3A_1518 = arith.constant 0 : index
    %swap3A_1519 = arith.constant 80 : index
    %swap3A_1520 = arith.constant 2048 : index
    %swap3A_1521 = vector.load %arg5[%swap3A_1518, %swap3A_1519, %swap3A_1520] : memref<1x128x4096xf32, #tpu.memory_space<vmem>>, vector<1x8x1024xf32>
    %swap3A_1522 = vector.shape_cast %swap3A_1521 : vector<1x8x1024xf32> to vector<8x1024xf32>
    %swap3A_1523 = vector.shape_cast %add3A_1517 : vector<8x1024xf32> to vector<1x8x1024xf32>
    tpu.vector_store %arg5[%swap3A_1518, %swap3A_1519, %swap3A_1520], %swap3A_1523 {strides = array<i32>} : memref<1x128x4096xf32, #tpu.memory_space<vmem>>, vector<1x8x1024xf32>,
    %get3A_1524 = arith.constant 0 : index
    %get3A_1525 = arith.constant 88 : index
    %get3A_1526 = arith.constant 2048 : index
    %get3A_1527 = vector.load %arg3[%get3A_1524, %get3A_1525, %get3A_1526] : memref<1x128x4096xf32, #tpu.memory_space<vmem>>, vector<1x8x1024xf32>
    %get3A_1528 = vector.shape_cast %get3A_1527 : vector<1x8x1024xf32> to vector<8x1024xf32>
    %mul3A_1529 = vector.broadcast %mul3A_1355 : vector<1x1024xf32> to vector<8x1024xf32>
    %mul3A_1530 = arith.mulf %get3A_1528, %mul3A_1529 : vector<8x1024xf32>
    %add3A_1531 = vector.broadcast %mul3A_1358 : vector<1x1024xf32> to vector<8x1024xf32>
    %add3A_1532 = arith.addf %mul3A_1530, %add3A_1531 : vector<8x1024xf32>
    %swap3A_1533 = arith.constant 0 : index
    %swap3A_1534 = arith.constant 88 : index
    %swap3A_1535 = arith.constant 2048 : index
    %swap3A_1536 = vector.load %arg5[%swap3A_1533, %swap3A_1534, %swap3A_1535] : memref<1x128x4096xf32, #tpu.memory_space<vmem>>, vector<1x8x1024xf32>
    %swap3A_1537 = vector.shape_cast %swap3A_1536 : vector<1x8x1024xf32> to vector<8x1024xf32>
    %swap3A_1538 = vector.shape_cast %add3A_1532 : vector<8x1024xf32> to vector<1x8x1024xf32>
    tpu.vector_store %arg5[%swap3A_1533, %swap3A_1534, %swap3A_1535], %swap3A_1538 {strides = array<i32>} : memref<1x128x4096xf32, #tpu.memory_space<vmem>>, vector<1x8x1024xf32>,
    %get3A_1539 = arith.constant 0 : index
    %get3A_1540 = arith.constant 96 : index
    %get3A_1541 = arith.constant 2048 : index
    %get3A_1542 = vector.load %arg3[%get3A_1539, %get3A_1540, %get3A_1541] : memref<1x128x4096xf32, #tpu.memory_space<vmem>>, vector<1x8x1024xf32>
    %get3A_1543 = vector.shape_cast %get3A_1542 : vector<1x8x1024xf32> to vector<8x1024xf32>
    %mul3A_1544 = vector.broadcast %mul3A_1355 : vector<1x1024xf32> to vector<8x1024xf32>
    %mul3A_1545 = arith.mulf %get3A_1543, %mul3A_1544 : vector<8x1024xf32>
    %add3A_1546 = vector.broadcast %mul3A_1358 : vector<1x1024xf32> to vector<8x1024xf32>
    %add3A_1547 = arith.addf %mul3A_1545, %add3A_1546 : vector<8x1024xf32>
    %swap3A_1548 = arith.constant 0 : index
    %swap3A_1549 = arith.constant 96 : index
    %swap3A_1550 = arith.constant 2048 : index
    %swap3A_1551 = vector.load %arg5[%swap3A_1548, %swap3A_1549, %swap3A_1550] : memref<1x128x4096xf32, #tpu.memory_space<vmem>>, vector<1x8x1024xf32>
    %swap3A_1552 = vector.shape_cast %swap3A_1551 : vector<1x8x1024xf32> to vector<8x1024xf32>
    %swap3A_1553 = vector.shape_cast %add3A_1547 : vector<8x1024xf32> to vector<1x8x1024xf32>
    tpu.vector_store %arg5[%swap3A_1548, %swap3A_1549, %swap3A_1550], %swap3A_1553 {strides = array<i32>} : memref<1x128x4096xf32, #tpu.memory_space<vmem>>, vector<1x8x1024xf32>,
    %get3A_1554 = arith.constant 0 : index
    %get3A_1555 = arith.constant 104 : index
    %get3A_1556 = arith.constant 2048 : index
    %get3A_1557 = vector.load %arg3[%get3A_1554, %get3A_1555, %get3A_1556] : memref<1x128x4096xf32, #tpu.memory_space<vmem>>, vector<1x8x1024xf32>
    %get3A_1558 = vector.shape_cast %get3A_1557 : vector<1x8x1024xf32> to vector<8x1024xf32>
    %mul3A_1559 = vector.broadcast %mul3A_1355 : vector<1x1024xf32> to vector<8x1024xf32>
    %mul3A_1560 = arith.mulf %get3A_1558, %mul3A_1559 : vector<8x1024xf32>
    %add3A_1561 = vector.broadcast %mul3A_1358 : vector<1x1024xf32> to vector<8x1024xf32>
    %add3A_1562 = arith.addf %mul3A_1560, %add3A_1561 : vector<8x1024xf32>
    %swap3A_1563 = arith.constant 0 : index
    %swap3A_1564 = arith.constant 104 : index
    %swap3A_1565 = arith.constant 2048 : index
    %swap3A_1566 = vector.load %arg5[%swap3A_1563, %swap3A_1564, %swap3A_1565] : memref<1x128x4096xf32, #tpu.memory_space<vmem>>, vector<1x8x1024xf32>
    %swap3A_1567 = vector.shape_cast %swap3A_1566 : vector<1x8x1024xf32> to vector<8x1024xf32>
    %swap3A_1568 = vector.shape_cast %add3A_1562 : vector<8x1024xf32> to vector<1x8x1024xf32>
    tpu.vector_store %arg5[%swap3A_1563, %swap3A_1564, %swap3A_1565], %swap3A_1568 {strides = array<i32>} : memref<1x128x4096xf32, #tpu.memory_space<vmem>>, vector<1x8x1024xf32>,
    %get3A_1569 = arith.constant 0 : index
    %get3A_1570 = arith.constant 112 : index
    %get3A_1571 = arith.constant 2048 : index
    %get3A_1572 = vector.load %arg3[%get3A_1569, %get3A_1570, %get3A_1571] : memref<1x128x4096xf32, #tpu.memory_space<vmem>>, vector<1x8x1024xf32>
    %get3A_1573 = vector.shape_cast %get3A_1572 : vector<1x8x1024xf32> to vector<8x1024xf32>
    %mul3A_1574 = vector.broadcast %mul3A_1355 : vector<1x1024xf32> to vector<8x1024xf32>
    %mul3A_1575 = arith.mulf %get3A_1573, %mul3A_1574 : vector<8x1024xf32>
    %add3A_1576 = vector.broadcast %mul3A_1358 : vector<1x1024xf32> to vector<8x1024xf32>
    %add3A_1577 = arith.addf %mul3A_1575, %add3A_1576 : vector<8x1024xf32>
    %swap3A_1578 = arith.constant 0 : index
    %swap3A_1579 = arith.constant 112 : index
    %swap3A_1580 = arith.constant 2048 : index
    %swap3A_1581 = vector.load %arg5[%swap3A_1578, %swap3A_1579, %swap3A_1580] : memref<1x128x4096xf32, #tpu.memory_space<vmem>>, vector<1x8x1024xf32>
    %swap3A_1582 = vector.shape_cast %swap3A_1581 : vector<1x8x1024xf32> to vector<8x1024xf32>
    %swap3A_1583 = vector.shape_cast %add3A_1577 : vector<8x1024xf32> to vector<1x8x1024xf32>
    tpu.vector_store %arg5[%swap3A_1578, %swap3A_1579, %swap3A_1580], %swap3A_1583 {strides = array<i32>} : memref<1x128x4096xf32, #tpu.memory_space<vmem>>, vector<1x8x1024xf32>,
    %get3A_1584 = arith.constant 0 : index
    %get3A_1585 = arith.constant 120 : index
    %get3A_1586 = arith.constant 2048 : index
    %get3A_1587 = vector.load %arg3[%get3A_1584, %get3A_1585, %get3A_1586] : memref<1x128x4096xf32, #tpu.memory_space<vmem>>, vector<1x8x1024xf32>
    %get3A_1588 = vector.shape_cast %get3A_1587 : vector<1x8x1024xf32> to vector<8x1024xf32>
    %mul3A_1589 = vector.broadcast %mul3A_1355 : vector<1x1024xf32> to vector<8x1024xf32>
    %mul3A_1590 = arith.mulf %get3A_1588, %mul3A_1589 : vector<8x1024xf32>
    %add3A_1591 = vector.broadcast %mul3A_1358 : vector<1x1024xf32> to vector<8x1024xf32>
    %add3A_1592 = arith.addf %mul3A_1590, %add3A_1591 : vector<8x1024xf32>
    %swap3A_1593 = arith.constant 0 : index
    %swap3A_1594 = arith.constant 120 : index
    %swap3A_1595 = arith.constant 2048 : index
    %swap3A_1596 = vector.load %arg5[%swap3A_1593, %swap3A_1594, %swap3A_1595] : memref<1x128x4096xf32, #tpu.memory_space<vmem>>, vector<1x8x1024xf32>
    %swap3A_1597 = vector.shape_cast %swap3A_1596 : vector<1x8x1024xf32> to vector<8x1024xf32>
    %swap3A_1598 = vector.shape_cast %add3A_1592 : vector<8x1024xf32> to vector<1x8x1024xf32>
    tpu.vector_store %arg5[%swap3A_1593, %swap3A_1594, %swap3A_1595], %swap3A_1598 {strides = array<i32>} : memref<1x128x4096xf32, #tpu.memory_space<vmem>>, vector<1x8x1024xf32>,
    %get3A_1599 = arith.constant 0 : index
    %get3A_1600 = arith.constant 0 : index
    %get3A_1601 = arith.constant 3072 : index
    %get3A_1602 = vector.load %arg4[%get3A_1599, %get3A_1600, %get3A_1601] : memref<1x128x4096xf32, #tpu.memory_space<vmem>>, vector<1x8x1024xf32>
    %get3A_1603 = vector.shape_cast %get3A_1602 : vector<1x8x1024xf32> to vector<8x1024xf32>
    %mul3A_1604 = arith.mulf %get3A_1603, %get3A_1603 : vector<8x1024xf32>
    %get3A_1605 = arith.constant 0 : index
    %get3A_1606 = arith.constant 8 : index
    %get3A_1607 = arith.constant 3072 : index
    %get3A_1608 = vector.load %arg4[%get3A_1605, %get3A_1606, %get3A_1607] : memref<1x128x4096xf32, #tpu.memory_space<vmem>>, vector<1x8x1024xf32>
    %get3A_1609 = vector.shape_cast %get3A_1608 : vector<1x8x1024xf32> to vector<8x1024xf32>
    %add3A_1610 = arith.addf %get3A_1603, %get3A_1609 : vector<8x1024xf32>
    %mul3A_1611 = arith.mulf %get3A_1609, %get3A_1609 : vector<8x1024xf32>
    %add3A_1612 = arith.addf %mul3A_1604, %mul3A_1611 : vector<8x1024xf32>
    %get3A_1613 = arith.constant 0 : index
    %get3A_1614 = arith.constant 16 : index
    %get3A_1615 = arith.constant 3072 : index
    %get3A_1616 = vector.load %arg4[%get3A_1613, %get3A_1614, %get3A_1615] : memref<1x128x4096xf32, #tpu.memory_space<vmem>>, vector<1x8x1024xf32>
    %get3A_1617 = vector.shape_cast %get3A_1616 : vector<1x8x1024xf32> to vector<8x1024xf32>
    %add3A_1618 = arith.addf %add3A_1610, %get3A_1617 : vector<8x1024xf32>
    %mul3A_1619 = arith.mulf %get3A_1617, %get3A_1617 : vector<8x1024xf32>
    %add3A_1620 = arith.addf %add3A_1612, %mul3A_1619 : vector<8x1024xf32>
    %get3A_1621 = arith.constant 0 : index
    %get3A_1622 = arith.constant 24 : index
    %get3A_1623 = arith.constant 3072 : index
    %get3A_1624 = vector.load %arg4[%get3A_1621, %get3A_1622, %get3A_1623] : memref<1x128x4096xf32, #tpu.memory_space<vmem>>, vector<1x8x1024xf32>
    %get3A_1625 = vector.shape_cast %get3A_1624 : vector<1x8x1024xf32> to vector<8x1024xf32>
    %add3A_1626 = arith.addf %add3A_1618, %get3A_1625 : vector<8x1024xf32>
    %mul3A_1627 = arith.mulf %get3A_1625, %get3A_1625 : vector<8x1024xf32>
    %add3A_1628 = arith.addf %add3A_1620, %mul3A_1627 : vector<8x1024xf32>
    %get3A_1629 = arith.constant 0 : index
    %get3A_1630 = arith.constant 32 : index
    %get3A_1631 = arith.constant 3072 : index
    %get3A_1632 = vector.load %arg4[%get3A_1629, %get3A_1630, %get3A_1631] : memref<1x128x4096xf32, #tpu.memory_space<vmem>>, vector<1x8x1024xf32>
    %get3A_1633 = vector.shape_cast %get3A_1632 : vector<1x8x1024xf32> to vector<8x1024xf32>
    %add3A_1634 = arith.addf %add3A_1626, %get3A_1633 : vector<8x1024xf32>
    %mul3A_1635 = arith.mulf %get3A_1633, %get3A_1633 : vector<8x1024xf32>
    %add3A_1636 = arith.addf %add3A_1628, %mul3A_1635 : vector<8x1024xf32>
    %get3A_1637 = arith.constant 0 : index
    %get3A_1638 = arith.constant 40 : index
    %get3A_1639 = arith.constant 3072 : index
    %get3A_1640 = vector.load %arg4[%get3A_1637, %get3A_1638, %get3A_1639] : memref<1x128x4096xf32, #tpu.memory_space<vmem>>, vector<1x8x1024xf32>
    %get3A_1641 = vector.shape_cast %get3A_1640 : vector<1x8x1024xf32> to vector<8x1024xf32>
    %add3A_1642 = arith.addf %add3A_1634, %get3A_1641 : vector<8x1024xf32>
    %mul3A_1643 = arith.mulf %get3A_1641, %get3A_1641 : vector<8x1024xf32>
    %add3A_1644 = arith.addf %add3A_1636, %mul3A_1643 : vector<8x1024xf32>
    %get3A_1645 = arith.constant 0 : index
    %get3A_1646 = arith.constant 48 : index
    %get3A_1647 = arith.constant 3072 : index
    %get3A_1648 = vector.load %arg4[%get3A_1645, %get3A_1646, %get3A_1647] : memref<1x128x4096xf32, #tpu.memory_space<vmem>>, vector<1x8x1024xf32>
    %get3A_1649 = vector.shape_cast %get3A_1648 : vector<1x8x1024xf32> to vector<8x1024xf32>
    %add3A_1650 = arith.addf %add3A_1642, %get3A_1649 : vector<8x1024xf32>
    %mul3A_1651 = arith.mulf %get3A_1649, %get3A_1649 : vector<8x1024xf32>
    %add3A_1652 = arith.addf %add3A_1644, %mul3A_1651 : vector<8x1024xf32>
    %get3A_1653 = arith.constant 0 : index
    %get3A_1654 = arith.constant 56 : index
    %get3A_1655 = arith.constant 3072 : index
    %get3A_1656 = vector.load %arg4[%get3A_1653, %get3A_1654, %get3A_1655] : memref<1x128x4096xf32, #tpu.memory_space<vmem>>, vector<1x8x1024xf32>
    %get3A_1657 = vector.shape_cast %get3A_1656 : vector<1x8x1024xf32> to vector<8x1024xf32>
    %add3A_1658 = arith.addf %add3A_1650, %get3A_1657 : vector<8x1024xf32>
    %mul3A_1659 = arith.mulf %get3A_1657, %get3A_1657 : vector<8x1024xf32>
    %add3A_1660 = arith.addf %add3A_1652, %mul3A_1659 : vector<8x1024xf32>
    %get3A_1661 = arith.constant 0 : index
    %get3A_1662 = arith.constant 64 : index
    %get3A_1663 = arith.constant 3072 : index
    %get3A_1664 = vector.load %arg4[%get3A_1661, %get3A_1662, %get3A_1663] : memref<1x128x4096xf32, #tpu.memory_space<vmem>>, vector<1x8x1024xf32>
    %get3A_1665 = vector.shape_cast %get3A_1664 : vector<1x8x1024xf32> to vector<8x1024xf32>
    %add3A_1666 = arith.addf %add3A_1658, %get3A_1665 : vector<8x1024xf32>
    %mul3A_1667 = arith.mulf %get3A_1665, %get3A_1665 : vector<8x1024xf32>
    %add3A_1668 = arith.addf %add3A_1660, %mul3A_1667 : vector<8x1024xf32>
    %get3A_1669 = arith.constant 0 : index
    %get3A_1670 = arith.constant 72 : index
    %get3A_1671 = arith.constant 3072 : index
    %get3A_1672 = vector.load %arg4[%get3A_1669, %get3A_1670, %get3A_1671] : memref<1x128x4096xf32, #tpu.memory_space<vmem>>, vector<1x8x1024xf32>
    %get3A_1673 = vector.shape_cast %get3A_1672 : vector<1x8x1024xf32> to vector<8x1024xf32>
    %add3A_1674 = arith.addf %add3A_1666, %get3A_1673 : vector<8x1024xf32>
    %mul3A_1675 = arith.mulf %get3A_1673, %get3A_1673 : vector<8x1024xf32>
    %add3A_1676 = arith.addf %add3A_1668, %mul3A_1675 : vector<8x1024xf32>
    %get3A_1677 = arith.constant 0 : index
    %get3A_1678 = arith.constant 80 : index
    %get3A_1679 = arith.constant 3072 : index
    %get3A_1680 = vector.load %arg4[%get3A_1677, %get3A_1678, %get3A_1679] : memref<1x128x4096xf32, #tpu.memory_space<vmem>>, vector<1x8x1024xf32>
    %get3A_1681 = vector.shape_cast %get3A_1680 : vector<1x8x1024xf32> to vector<8x1024xf32>
    %add3A_1682 = arith.addf %add3A_1674, %get3A_1681 : vector<8x1024xf32>
    %mul3A_1683 = arith.mulf %get3A_1681, %get3A_1681 : vector<8x1024xf32>
    %add3A_1684 = arith.addf %add3A_1676, %mul3A_1683 : vector<8x1024xf32>
    %get3A_1685 = arith.constant 0 : index
    %get3A_1686 = arith.constant 88 : index
    %get3A_1687 = arith.constant 3072 : index
    %get3A_1688 = vector.load %arg4[%get3A_1685, %get3A_1686, %get3A_1687] : memref<1x128x4096xf32, #tpu.memory_space<vmem>>, vector<1x8x1024xf32>
    %get3A_1689 = vector.shape_cast %get3A_1688 : vector<1x8x1024xf32> to vector<8x1024xf32>
    %add3A_1690 = arith.addf %add3A_1682, %get3A_1689 : vector<8x1024xf32>
    %mul3A_1691 = arith.mulf %get3A_1689, %get3A_1689 : vector<8x1024xf32>
    %add3A_1692 = arith.addf %add3A_1684, %mul3A_1691 : vector<8x1024xf32>
    %get3A_1693 = arith.constant 0 : index
    %get3A_1694 = arith.constant 96 : index
    %get3A_1695 = arith.constant 3072 : index
    %get3A_1696 = vector.load %arg4[%get3A_1693, %get3A_1694, %get3A_1695] : memref<1x128x4096xf32, #tpu.memory_space<vmem>>, vector<1x8x1024xf32>
    %get3A_1697 = vector.shape_cast %get3A_1696 : vector<1x8x1024xf32> to vector<8x1024xf32>
    %add3A_1698 = arith.addf %add3A_1690, %get3A_1697 : vector<8x1024xf32>
    %mul3A_1699 = arith.mulf %get3A_1697, %get3A_1697 : vector<8x1024xf32>
    %add3A_1700 = arith.addf %add3A_1692, %mul3A_1699 : vector<8x1024xf32>
    %get3A_1701 = arith.constant 0 : index
    %get3A_1702 = arith.constant 104 : index
    %get3A_1703 = arith.constant 3072 : index
    %get3A_1704 = vector.load %arg4[%get3A_1701, %get3A_1702, %get3A_1703] : memref<1x128x4096xf32, #tpu.memory_space<vmem>>, vector<1x8x1024xf32>
    %get3A_1705 = vector.shape_cast %get3A_1704 : vector<1x8x1024xf32> to vector<8x1024xf32>
    %add3A_1706 = arith.addf %add3A_1698, %get3A_1705 : vector<8x1024xf32>
    %mul3A_1707 = arith.mulf %get3A_1705, %get3A_1705 : vector<8x1024xf32>
    %add3A_1708 = arith.addf %add3A_1700, %mul3A_1707 : vector<8x1024xf32>
    %get3A_1709 = arith.constant 0 : index
    %get3A_1710 = arith.constant 112 : index
    %get3A_1711 = arith.constant 3072 : index
    %get3A_1712 = vector.load %arg4[%get3A_1709, %get3A_1710, %get3A_1711] : memref<1x128x4096xf32, #tpu.memory_space<vmem>>, vector<1x8x1024xf32>
    %get3A_1713 = vector.shape_cast %get3A_1712 : vector<1x8x1024xf32> to vector<8x1024xf32>
    %add3A_1714 = arith.addf %add3A_1706, %get3A_1713 : vector<8x1024xf32>
    %mul3A_1715 = arith.mulf %get3A_1713, %get3A_1713 : vector<8x1024xf32>
    %add3A_1716 = arith.addf %add3A_1708, %mul3A_1715 : vector<8x1024xf32>
    %get3A_1717 = arith.constant 0 : index
    %get3A_1718 = arith.constant 120 : index
    %get3A_1719 = arith.constant 3072 : index
    %get3A_1720 = vector.load %arg4[%get3A_1717, %get3A_1718, %get3A_1719] : memref<1x128x4096xf32, #tpu.memory_space<vmem>>, vector<1x8x1024xf32>
    %get3A_1721 = vector.shape_cast %get3A_1720 : vector<1x8x1024xf32> to vector<8x1024xf32>
    %add3A_1722 = arith.addf %add3A_1714, %get3A_1721 : vector<8x1024xf32>
    %mul3A_1723 = arith.mulf %get3A_1721, %get3A_1721 : vector<8x1024xf32>
    %add3A_1724 = arith.addf %add3A_1716, %mul3A_1723 : vector<8x1024xf32>
    %reduce_sum3A_1725 = arith.constant dense<0.000000e+00> : vector<1024xf32>
    %reduce_sum3A_1726 = vector.multi_reduction <add>, %add3A_1722, %reduce_sum3A_1725 [0] : vector<8x1024xf32> to vector<1024xf32>
    %broadcast_in_dim3A_1727 = vector.shape_cast %reduce_sum3A_1726 : vector<1024xf32> to vector<1x1024xf32>
    %reduce_sum3A_1728 = arith.constant dense<0.000000e+00> : vector<1024xf32>
    %reduce_sum3A_1729 = vector.multi_reduction <add>, %add3A_1724, %reduce_sum3A_1728 [0] : vector<8x1024xf32> to vector<1024xf32>
    %broadcast_in_dim3A_1730 = vector.shape_cast %reduce_sum3A_1729 : vector<1024xf32> to vector<1x1024xf32>
    %get3A_1731 = arith.constant 0 : index
    %get3A_1732 = arith.constant 0 : index
    %get3A_1733 = arith.constant 3072 : index
    %get3A_1734 = vector.load %arg3[%get3A_1731, %get3A_1732, %get3A_1733] : memref<1x128x4096xf32, #tpu.memory_space<vmem>>, vector<1x8x1024xf32>
    %get3A_1735 = vector.shape_cast %get3A_1734 : vector<1x8x1024xf32> to vector<8x1024xf32>
    %mul3A_1736 = arith.mulf %get3A_1735, %get3A_1735 : vector<8x1024xf32>
    %get3A_1737 = arith.constant 0 : index
    %get3A_1738 = arith.constant 8 : index
    %get3A_1739 = arith.constant 3072 : index
    %get3A_1740 = vector.load %arg3[%get3A_1737, %get3A_1738, %get3A_1739] : memref<1x128x4096xf32, #tpu.memory_space<vmem>>, vector<1x8x1024xf32>
    %get3A_1741 = vector.shape_cast %get3A_1740 : vector<1x8x1024xf32> to vector<8x1024xf32>
    %add3A_1742 = arith.addf %get3A_1735, %get3A_1741 : vector<8x1024xf32>
    %mul3A_1743 = arith.mulf %get3A_1741, %get3A_1741 : vector<8x1024xf32>
    %add3A_1744 = arith.addf %mul3A_1736, %mul3A_1743 : vector<8x1024xf32>
    %get3A_1745 = arith.constant 0 : index
    %get3A_1746 = arith.constant 16 : index
    %get3A_1747 = arith.constant 3072 : index
    %get3A_1748 = vector.load %arg3[%get3A_1745, %get3A_1746, %get3A_1747] : memref<1x128x4096xf32, #tpu.memory_space<vmem>>, vector<1x8x1024xf32>
    %get3A_1749 = vector.shape_cast %get3A_1748 : vector<1x8x1024xf32> to vector<8x1024xf32>
    %add3A_1750 = arith.addf %add3A_1742, %get3A_1749 : vector<8x1024xf32>
    %mul3A_1751 = arith.mulf %get3A_1749, %get3A_1749 : vector<8x1024xf32>
    %add3A_1752 = arith.addf %add3A_1744, %mul3A_1751 : vector<8x1024xf32>
    %get3A_1753 = arith.constant 0 : index
    %get3A_1754 = arith.constant 24 : index
    %get3A_1755 = arith.constant 3072 : index
    %get3A_1756 = vector.load %arg3[%get3A_1753, %get3A_1754, %get3A_1755] : memref<1x128x4096xf32, #tpu.memory_space<vmem>>, vector<1x8x1024xf32>
    %get3A_1757 = vector.shape_cast %get3A_1756 : vector<1x8x1024xf32> to vector<8x1024xf32>
    %add3A_1758 = arith.addf %add3A_1750, %get3A_1757 : vector<8x1024xf32>
    %mul3A_1759 = arith.mulf %get3A_1757, %get3A_1757 : vector<8x1024xf32>
    %add3A_1760 = arith.addf %add3A_1752, %mul3A_1759 : vector<8x1024xf32>
    %get3A_1761 = arith.constant 0 : index
    %get3A_1762 = arith.constant 32 : index
    %get3A_1763 = arith.constant 3072 : index
    %get3A_1764 = vector.load %arg3[%get3A_1761, %get3A_1762, %get3A_1763] : memref<1x128x4096xf32, #tpu.memory_space<vmem>>, vector<1x8x1024xf32>
    %get3A_1765 = vector.shape_cast %get3A_1764 : vector<1x8x1024xf32> to vector<8x1024xf32>
    %add3A_1766 = arith.addf %add3A_1758, %get3A_1765 : vector<8x1024xf32>
    %mul3A_1767 = arith.mulf %get3A_1765, %get3A_1765 : vector<8x1024xf32>
    %add3A_1768 = arith.addf %add3A_1760, %mul3A_1767 : vector<8x1024xf32>
    %get3A_1769 = arith.constant 0 : index
    %get3A_1770 = arith.constant 40 : index
    %get3A_1771 = arith.constant 3072 : index
    %get3A_1772 = vector.load %arg3[%get3A_1769, %get3A_1770, %get3A_1771] : memref<1x128x4096xf32, #tpu.memory_space<vmem>>, vector<1x8x1024xf32>
    %get3A_1773 = vector.shape_cast %get3A_1772 : vector<1x8x1024xf32> to vector<8x1024xf32>
    %add3A_1774 = arith.addf %add3A_1766, %get3A_1773 : vector<8x1024xf32>
    %mul3A_1775 = arith.mulf %get3A_1773, %get3A_1773 : vector<8x1024xf32>
    %add3A_1776 = arith.addf %add3A_1768, %mul3A_1775 : vector<8x1024xf32>
    %get3A_1777 = arith.constant 0 : index
    %get3A_1778 = arith.constant 48 : index
    %get3A_1779 = arith.constant 3072 : index
    %get3A_1780 = vector.load %arg3[%get3A_1777, %get3A_1778, %get3A_1779] : memref<1x128x4096xf32, #tpu.memory_space<vmem>>, vector<1x8x1024xf32>
    %get3A_1781 = vector.shape_cast %get3A_1780 : vector<1x8x1024xf32> to vector<8x1024xf32>
    %add3A_1782 = arith.addf %add3A_1774, %get3A_1781 : vector<8x1024xf32>
    %mul3A_1783 = arith.mulf %get3A_1781, %get3A_1781 : vector<8x1024xf32>
    %add3A_1784 = arith.addf %add3A_1776, %mul3A_1783 : vector<8x1024xf32>
    %get3A_1785 = arith.constant 0 : index
    %get3A_1786 = arith.constant 56 : index
    %get3A_1787 = arith.constant 3072 : index
    %get3A_1788 = vector.load %arg3[%get3A_1785, %get3A_1786, %get3A_1787] : memref<1x128x4096xf32, #tpu.memory_space<vmem>>, vector<1x8x1024xf32>
    %get3A_1789 = vector.shape_cast %get3A_1788 : vector<1x8x1024xf32> to vector<8x1024xf32>
    %add3A_1790 = arith.addf %add3A_1782, %get3A_1789 : vector<8x1024xf32>
    %mul3A_1791 = arith.mulf %get3A_1789, %get3A_1789 : vector<8x1024xf32>
    %add3A_1792 = arith.addf %add3A_1784, %mul3A_1791 : vector<8x1024xf32>
    %get3A_1793 = arith.constant 0 : index
    %get3A_1794 = arith.constant 64 : index
    %get3A_1795 = arith.constant 3072 : index
    %get3A_1796 = vector.load %arg3[%get3A_1793, %get3A_1794, %get3A_1795] : memref<1x128x4096xf32, #tpu.memory_space<vmem>>, vector<1x8x1024xf32>
    %get3A_1797 = vector.shape_cast %get3A_1796 : vector<1x8x1024xf32> to vector<8x1024xf32>
    %add3A_1798 = arith.addf %add3A_1790, %get3A_1797 : vector<8x1024xf32>
    %mul3A_1799 = arith.mulf %get3A_1797, %get3A_1797 : vector<8x1024xf32>
    %add3A_1800 = arith.addf %add3A_1792, %mul3A_1799 : vector<8x1024xf32>
    %get3A_1801 = arith.constant 0 : index
    %get3A_1802 = arith.constant 72 : index
    %get3A_1803 = arith.constant 3072 : index
    %get3A_1804 = vector.load %arg3[%get3A_1801, %get3A_1802, %get3A_1803] : memref<1x128x4096xf32, #tpu.memory_space<vmem>>, vector<1x8x1024xf32>
    %get3A_1805 = vector.shape_cast %get3A_1804 : vector<1x8x1024xf32> to vector<8x1024xf32>
    %add3A_1806 = arith.addf %add3A_1798, %get3A_1805 : vector<8x1024xf32>
    %mul3A_1807 = arith.mulf %get3A_1805, %get3A_1805 : vector<8x1024xf32>
    %add3A_1808 = arith.addf %add3A_1800, %mul3A_1807 : vector<8x1024xf32>
    %get3A_1809 = arith.constant 0 : index
    %get3A_1810 = arith.constant 80 : index
    %get3A_1811 = arith.constant 3072 : index
    %get3A_1812 = vector.load %arg3[%get3A_1809, %get3A_1810, %get3A_1811] : memref<1x128x4096xf32, #tpu.memory_space<vmem>>, vector<1x8x1024xf32>
    %get3A_1813 = vector.shape_cast %get3A_1812 : vector<1x8x1024xf32> to vector<8x1024xf32>
    %add3A_1814 = arith.addf %add3A_1806, %get3A_1813 : vector<8x1024xf32>
    %mul3A_1815 = arith.mulf %get3A_1813, %get3A_1813 : vector<8x1024xf32>
    %add3A_1816 = arith.addf %add3A_1808, %mul3A_1815 : vector<8x1024xf32>
    %get3A_1817 = arith.constant 0 : index
    %get3A_1818 = arith.constant 88 : index
    %get3A_1819 = arith.constant 3072 : index
    %get3A_1820 = vector.load %arg3[%get3A_1817, %get3A_1818, %get3A_1819] : memref<1x128x4096xf32, #tpu.memory_space<vmem>>, vector<1x8x1024xf32>
    %get3A_1821 = vector.shape_cast %get3A_1820 : vector<1x8x1024xf32> to vector<8x1024xf32>
    %add3A_1822 = arith.addf %add3A_1814, %get3A_1821 : vector<8x1024xf32>
    %mul3A_1823 = arith.mulf %get3A_1821, %get3A_1821 : vector<8x1024xf32>
    %add3A_1824 = arith.addf %add3A_1816, %mul3A_1823 : vector<8x1024xf32>
    %get3A_1825 = arith.constant 0 : index
    %get3A_1826 = arith.constant 96 : index
    %get3A_1827 = arith.constant 3072 : index
    %get3A_1828 = vector.load %arg3[%get3A_1825, %get3A_1826, %get3A_1827] : memref<1x128x4096xf32, #tpu.memory_space<vmem>>, vector<1x8x1024xf32>
    %get3A_1829 = vector.shape_cast %get3A_1828 : vector<1x8x1024xf32> to vector<8x1024xf32>
    %add3A_1830 = arith.addf %add3A_1822, %get3A_1829 : vector<8x1024xf32>
    %mul3A_1831 = arith.mulf %get3A_1829, %get3A_1829 : vector<8x1024xf32>
    %add3A_1832 = arith.addf %add3A_1824, %mul3A_1831 : vector<8x1024xf32>
    %get3A_1833 = arith.constant 0 : index
    %get3A_1834 = arith.constant 104 : index
    %get3A_1835 = arith.constant 3072 : index
    %get3A_1836 = vector.load %arg3[%get3A_1833, %get3A_1834, %get3A_1835] : memref<1x128x4096xf32, #tpu.memory_space<vmem>>, vector<1x8x1024xf32>
    %get3A_1837 = vector.shape_cast %get3A_1836 : vector<1x8x1024xf32> to vector<8x1024xf32>
    %add3A_1838 = arith.addf %add3A_1830, %get3A_1837 : vector<8x1024xf32>
    %mul3A_1839 = arith.mulf %get3A_1837, %get3A_1837 : vector<8x1024xf32>
    %add3A_1840 = arith.addf %add3A_1832, %mul3A_1839 : vector<8x1024xf32>
    %get3A_1841 = arith.constant 0 : index
    %get3A_1842 = arith.constant 112 : index
    %get3A_1843 = arith.constant 3072 : index
    %get3A_1844 = vector.load %arg3[%get3A_1841, %get3A_1842, %get3A_1843] : memref<1x128x4096xf32, #tpu.memory_space<vmem>>, vector<1x8x1024xf32>
    %get3A_1845 = vector.shape_cast %get3A_1844 : vector<1x8x1024xf32> to vector<8x1024xf32>
    %add3A_1846 = arith.addf %add3A_1838, %get3A_1845 : vector<8x1024xf32>
    %mul3A_1847 = arith.mulf %get3A_1845, %get3A_1845 : vector<8x1024xf32>
    %add3A_1848 = arith.addf %add3A_1840, %mul3A_1847 : vector<8x1024xf32>
    %get3A_1849 = arith.constant 0 : index
    %get3A_1850 = arith.constant 120 : index
    %get3A_1851 = arith.constant 3072 : index
    %get3A_1852 = vector.load %arg3[%get3A_1849, %get3A_1850, %get3A_1851] : memref<1x128x4096xf32, #tpu.memory_space<vmem>>, vector<1x8x1024xf32>
    %get3A_1853 = vector.shape_cast %get3A_1852 : vector<1x8x1024xf32> to vector<8x1024xf32>
    %add3A_1854 = arith.addf %add3A_1846, %get3A_1853 : vector<8x1024xf32>
    %mul3A_1855 = arith.mulf %get3A_1853, %get3A_1853 : vector<8x1024xf32>
    %add3A_1856 = arith.addf %add3A_1848, %mul3A_1855 : vector<8x1024xf32>
    %reduce_sum3A_1857 = arith.constant dense<0.000000e+00> : vector<1024xf32>
    %reduce_sum3A_1858 = vector.multi_reduction <add>, %add3A_1854, %reduce_sum3A_1857 [0] : vector<8x1024xf32> to vector<1024xf32>
    %broadcast_in_dim3A_1859 = vector.shape_cast %reduce_sum3A_1858 : vector<1024xf32> to vector<1x1024xf32>
    %reduce_sum3A_1860 = arith.constant dense<0.000000e+00> : vector<1024xf32>
    %reduce_sum3A_1861 = vector.multi_reduction <add>, %add3A_1856, %reduce_sum3A_1860 [0] : vector<8x1024xf32> to vector<1024xf32>
    %broadcast_in_dim3A_1862 = vector.shape_cast %reduce_sum3A_1861 : vector<1024xf32> to vector<1x1024xf32>
    %mul3A_1863 = arith.constant 7.812500e-03 : f32
    %mul3A_1864 = vector.broadcast %mul3A_1863 : f32 to vector<1x1024xf32>
    %mul3A_1865 = arith.mulf %broadcast_in_dim3A_1727, %mul3A_1864 : vector<1x1024xf32>
    %mul3A_1866 = arith.mulf %broadcast_in_dim3A_1727, %mul3A_1865 : vector<1x1024xf32>
    %sub3A_1867 = arith.subf %broadcast_in_dim3A_1730, %mul3A_1866 : vector<1x1024xf32>
    %mul3A_1868 = arith.constant 0.00787401571 : f32
    %mul3A_1869 = vector.broadcast %mul3A_1868 : f32 to vector<1x1024xf32>
    %mul3A_1870 = arith.mulf %sub3A_1867, %mul3A_1869 : vector<1x1024xf32>
    %mul3A_1871 = arith.constant 7.812500e-03 : f32
    %mul3A_1872 = vector.broadcast %mul3A_1871 : f32 to vector<1x1024xf32>
    %mul3A_1873 = arith.mulf %broadcast_in_dim3A_1859, %mul3A_1872 : vector<1x1024xf32>
    %mul3A_1874 = arith.mulf %broadcast_in_dim3A_1859, %mul3A_1873 : vector<1x1024xf32>
    %sub3A_1875 = arith.subf %broadcast_in_dim3A_1862, %mul3A_1874 : vector<1x1024xf32>
    %mul3A_1876 = arith.constant 0.00787401571 : f32
    %mul3A_1877 = vector.broadcast %mul3A_1876 : f32 to vector<1x1024xf32>
    %mul3A_1878 = arith.mulf %sub3A_1875, %mul3A_1877 : vector<1x1024xf32>
    %add3A_1879 = arith.constant 9.99999974E-6 : f32
    %add3A_1880 = vector.broadcast %add3A_1879 : f32 to vector<1x1024xf32>
    %add3A_1881 = arith.addf %mul3A_1870, %add3A_1880 : vector<1x1024xf32>
    %add3A_1882 = arith.constant 9.99999974E-6 : f32
    %add3A_1883 = vector.broadcast %add3A_1882 : f32 to vector<1x1024xf32>
    %add3A_1884 = arith.addf %mul3A_1878, %add3A_1883 : vector<1x1024xf32>
    %div3A_1885 = arith.divf %add3A_1881, %add3A_1884 : vector<1x1024xf32>
    %sqrt3A_1886 = math.sqrt %div3A_1885 : vector<1x1024xf32>
    %mul3A_1887 = arith.mulf %mul3A_1873, %sqrt3A_1886 : vector<1x1024xf32>
    %sub3A_1888 = arith.subf %mul3A_1865, %mul3A_1887 : vector<1x1024xf32>
    %mul3A_1889 = arith.constant 0.999999821 : f32
    %mul3A_1890 = vector.broadcast %mul3A_1889 : f32 to vector<1x1024xf32>
    %mul3A_1891 = arith.mulf %sqrt3A_1886, %mul3A_1890 : vector<1x1024xf32>
    %mul3A_1892 = arith.constant 0.999999821 : f32
    %mul3A_1893 = vector.broadcast %mul3A_1892 : f32 to vector<1x1024xf32>
    %mul3A_1894 = arith.mulf %sub3A_1888, %mul3A_1893 : vector<1x1024xf32>
    %get3A_1895 = arith.constant 0 : index
    %get3A_1896 = arith.constant 0 : index
    %get3A_1897 = arith.constant 3072 : index
    %get3A_1898 = vector.load %arg3[%get3A_1895, %get3A_1896, %get3A_1897] : memref<1x128x4096xf32, #tpu.memory_space<vmem>>, vector<1x8x1024xf32>
    %get3A_1899 = vector.shape_cast %get3A_1898 : vector<1x8x1024xf32> to vector<8x1024xf32>
    %mul3A_1900 = vector.broadcast %mul3A_1891 : vector<1x1024xf32> to vector<8x1024xf32>
    %mul3A_1901 = arith.mulf %get3A_1899, %mul3A_1900 : vector<8x1024xf32>
    %add3A_1902 = vector.broadcast %mul3A_1894 : vector<1x1024xf32> to vector<8x1024xf32>
    %add3A_1903 = arith.addf %mul3A_1901, %add3A_1902 : vector<8x1024xf32>
    %swap3A_1904 = arith.constant 0 : index
    %swap3A_1905 = arith.constant 0 : index
    %swap3A_1906 = arith.constant 3072 : index
    %swap3A_1907 = vector.load %arg5[%swap3A_1904, %swap3A_1905, %swap3A_1906] : memref<1x128x4096xf32, #tpu.memory_space<vmem>>, vector<1x8x1024xf32>
    %swap3A_1908 = vector.shape_cast %swap3A_1907 : vector<1x8x1024xf32> to vector<8x1024xf32>
    %swap3A_1909 = vector.shape_cast %add3A_1903 : vector<8x1024xf32> to vector<1x8x1024xf32>
    tpu.vector_store %arg5[%swap3A_1904, %swap3A_1905, %swap3A_1906], %swap3A_1909 {strides = array<i32>} : memref<1x128x4096xf32, #tpu.memory_space<vmem>>, vector<1x8x1024xf32>,
    %get3A_1910 = arith.constant 0 : index
    %get3A_1911 = arith.constant 8 : index
    %get3A_1912 = arith.constant 3072 : index
    %get3A_1913 = vector.load %arg3[%get3A_1910, %get3A_1911, %get3A_1912] : memref<1x128x4096xf32, #tpu.memory_space<vmem>>, vector<1x8x1024xf32>
    %get3A_1914 = vector.shape_cast %get3A_1913 : vector<1x8x1024xf32> to vector<8x1024xf32>
    %mul3A_1915 = vector.broadcast %mul3A_1891 : vector<1x1024xf32> to vector<8x1024xf32>
    %mul3A_1916 = arith.mulf %get3A_1914, %mul3A_1915 : vector<8x1024xf32>
    %add3A_1917 = vector.broadcast %mul3A_1894 : vector<1x1024xf32> to vector<8x1024xf32>
    %add3A_1918 = arith.addf %mul3A_1916, %add3A_1917 : vector<8x1024xf32>
    %swap3A_1919 = arith.constant 0 : index
    %swap3A_1920 = arith.constant 8 : index
    %swap3A_1921 = arith.constant 3072 : index
    %swap3A_1922 = vector.load %arg5[%swap3A_1919, %swap3A_1920, %swap3A_1921] : memref<1x128x4096xf32, #tpu.memory_space<vmem>>, vector<1x8x1024xf32>
    %swap3A_1923 = vector.shape_cast %swap3A_1922 : vector<1x8x1024xf32> to vector<8x1024xf32>
    %swap3A_1924 = vector.shape_cast %add3A_1918 : vector<8x1024xf32> to vector<1x8x1024xf32>
    tpu.vector_store %arg5[%swap3A_1919, %swap3A_1920, %swap3A_1921], %swap3A_1924 {strides = array<i32>} : memref<1x128x4096xf32, #tpu.memory_space<vmem>>, vector<1x8x1024xf32>,
    %get3A_1925 = arith.constant 0 : index
    %get3A_1926 = arith.constant 16 : index
    %get3A_1927 = arith.constant 3072 : index
    %get3A_1928 = vector.load %arg3[%get3A_1925, %get3A_1926, %get3A_1927] : memref<1x128x4096xf32, #tpu.memory_space<vmem>>, vector<1x8x1024xf32>
    %get3A_1929 = vector.shape_cast %get3A_1928 : vector<1x8x1024xf32> to vector<8x1024xf32>
    %mul3A_1930 = vector.broadcast %mul3A_1891 : vector<1x1024xf32> to vector<8x1024xf32>
    %mul3A_1931 = arith.mulf %get3A_1929, %mul3A_1930 : vector<8x1024xf32>
    %add3A_1932 = vector.broadcast %mul3A_1894 : vector<1x1024xf32> to vector<8x1024xf32>
    %add3A_1933 = arith.addf %mul3A_1931, %add3A_1932 : vector<8x1024xf32>
    %swap3A_1934 = arith.constant 0 : index
    %swap3A_1935 = arith.constant 16 : index
    %swap3A_1936 = arith.constant 3072 : index
    %swap3A_1937 = vector.load %arg5[%swap3A_1934, %swap3A_1935, %swap3A_1936] : memref<1x128x4096xf32, #tpu.memory_space<vmem>>, vector<1x8x1024xf32>
    %swap3A_1938 = vector.shape_cast %swap3A_1937 : vector<1x8x1024xf32> to vector<8x1024xf32>
    %swap3A_1939 = vector.shape_cast %add3A_1933 : vector<8x1024xf32> to vector<1x8x1024xf32>
    tpu.vector_store %arg5[%swap3A_1934, %swap3A_1935, %swap3A_1936], %swap3A_1939 {strides = array<i32>} : memref<1x128x4096xf32, #tpu.memory_space<vmem>>, vector<1x8x1024xf32>,
    %get3A_1940 = arith.constant 0 : index
    %get3A_1941 = arith.constant 24 : index
    %get3A_1942 = arith.constant 3072 : index
    %get3A_1943 = vector.load %arg3[%get3A_1940, %get3A_1941, %get3A_1942] : memref<1x128x4096xf32, #tpu.memory_space<vmem>>, vector<1x8x1024xf32>
    %get3A_1944 = vector.shape_cast %get3A_1943 : vector<1x8x1024xf32> to vector<8x1024xf32>
    %mul3A_1945 = vector.broadcast %mul3A_1891 : vector<1x1024xf32> to vector<8x1024xf32>
    %mul3A_1946 = arith.mulf %get3A_1944, %mul3A_1945 : vector<8x1024xf32>
    %add3A_1947 = vector.broadcast %mul3A_1894 : vector<1x1024xf32> to vector<8x1024xf32>
    %add3A_1948 = arith.addf %mul3A_1946, %add3A_1947 : vector<8x1024xf32>
    %swap3A_1949 = arith.constant 0 : index
    %swap3A_1950 = arith.constant 24 : index
    %swap3A_1951 = arith.constant 3072 : index
    %swap3A_1952 = vector.load %arg5[%swap3A_1949, %swap3A_1950, %swap3A_1951] : memref<1x128x4096xf32, #tpu.memory_space<vmem>>, vector<1x8x1024xf32>
    %swap3A_1953 = vector.shape_cast %swap3A_1952 : vector<1x8x1024xf32> to vector<8x1024xf32>
    %swap3A_1954 = vector.shape_cast %add3A_1948 : vector<8x1024xf32> to vector<1x8x1024xf32>
    tpu.vector_store %arg5[%swap3A_1949, %swap3A_1950, %swap3A_1951], %swap3A_1954 {strides = array<i32>} : memref<1x128x4096xf32, #tpu.memory_space<vmem>>, vector<1x8x1024xf32>,
    %get3A_1955 = arith.constant 0 : index
    %get3A_1956 = arith.constant 32 : index
    %get3A_1957 = arith.constant 3072 : index
    %get3A_1958 = vector.load %arg3[%get3A_1955, %get3A_1956, %get3A_1957] : memref<1x128x4096xf32, #tpu.memory_space<vmem>>, vector<1x8x1024xf32>
    %get3A_1959 = vector.shape_cast %get3A_1958 : vector<1x8x1024xf32> to vector<8x1024xf32>
    %mul3A_1960 = vector.broadcast %mul3A_1891 : vector<1x1024xf32> to vector<8x1024xf32>
    %mul3A_1961 = arith.mulf %get3A_1959, %mul3A_1960 : vector<8x1024xf32>
    %add3A_1962 = vector.broadcast %mul3A_1894 : vector<1x1024xf32> to vector<8x1024xf32>
    %add3A_1963 = arith.addf %mul3A_1961, %add3A_1962 : vector<8x1024xf32>
    %swap3A_1964 = arith.constant 0 : index
    %swap3A_1965 = arith.constant 32 : index
    %swap3A_1966 = arith.constant 3072 : index
    %swap3A_1967 = vector.load %arg5[%swap3A_1964, %swap3A_1965, %swap3A_1966] : memref<1x128x4096xf32, #tpu.memory_space<vmem>>, vector<1x8x1024xf32>
    %swap3A_1968 = vector.shape_cast %swap3A_1967 : vector<1x8x1024xf32> to vector<8x1024xf32>
    %swap3A_1969 = vector.shape_cast %add3A_1963 : vector<8x1024xf32> to vector<1x8x1024xf32>
    tpu.vector_store %arg5[%swap3A_1964, %swap3A_1965, %swap3A_1966], %swap3A_1969 {strides = array<i32>} : memref<1x128x4096xf32, #tpu.memory_space<vmem>>, vector<1x8x1024xf32>,
    %get3A_1970 = arith.constant 0 : index
    %get3A_1971 = arith.constant 40 : index
    %get3A_1972 = arith.constant 3072 : index
    %get3A_1973 = vector.load %arg3[%get3A_1970, %get3A_1971, %get3A_1972] : memref<1x128x4096xf32, #tpu.memory_space<vmem>>, vector<1x8x1024xf32>
    %get3A_1974 = vector.shape_cast %get3A_1973 : vector<1x8x1024xf32> to vector<8x1024xf32>
    %mul3A_1975 = vector.broadcast %mul3A_1891 : vector<1x1024xf32> to vector<8x1024xf32>
    %mul3A_1976 = arith.mulf %get3A_1974, %mul3A_1975 : vector<8x1024xf32>
    %add3A_1977 = vector.broadcast %mul3A_1894 : vector<1x1024xf32> to vector<8x1024xf32>
    %add3A_1978 = arith.addf %mul3A_1976, %add3A_1977 : vector<8x1024xf32>
    %swap3A_1979 = arith.constant 0 : index
    %swap3A_1980 = arith.constant 40 : index
    %swap3A_1981 = arith.constant 3072 : index
    %swap3A_1982 = vector.load %arg5[%swap3A_1979, %swap3A_1980, %swap3A_1981] : memref<1x128x4096xf32, #tpu.memory_space<vmem>>, vector<1x8x1024xf32>
    %swap3A_1983 = vector.shape_cast %swap3A_1982 : vector<1x8x1024xf32> to vector<8x1024xf32>
    %swap3A_1984 = vector.shape_cast %add3A_1978 : vector<8x1024xf32> to vector<1x8x1024xf32>
    tpu.vector_store %arg5[%swap3A_1979, %swap3A_1980, %swap3A_1981], %swap3A_1984 {strides = array<i32>} : memref<1x128x4096xf32, #tpu.memory_space<vmem>>, vector<1x8x1024xf32>,
    %get3A_1985 = arith.constant 0 : index
    %get3A_1986 = arith.constant 48 : index
    %get3A_1987 = arith.constant 3072 : index
    %get3A_1988 = vector.load %arg3[%get3A_1985, %get3A_1986, %get3A_1987] : memref<1x128x4096xf32, #tpu.memory_space<vmem>>, vector<1x8x1024xf32>
    %get3A_1989 = vector.shape_cast %get3A_1988 : vector<1x8x1024xf32> to vector<8x1024xf32>
    %mul3A_1990 = vector.broadcast %mul3A_1891 : vector<1x1024xf32> to vector<8x1024xf32>
    %mul3A_1991 = arith.mulf %get3A_1989, %mul3A_1990 : vector<8x1024xf32>
    %add3A_1992 = vector.broadcast %mul3A_1894 : vector<1x1024xf32> to vector<8x1024xf32>
    %add3A_1993 = arith.addf %mul3A_1991, %add3A_1992 : vector<8x1024xf32>
    %swap3A_1994 = arith.constant 0 : index
    %swap3A_1995 = arith.constant 48 : index
    %swap3A_1996 = arith.constant 3072 : index
    %swap3A_1997 = vector.load %arg5[%swap3A_1994, %swap3A_1995, %swap3A_1996] : memref<1x128x4096xf32, #tpu.memory_space<vmem>>, vector<1x8x1024xf32>
    %swap3A_1998 = vector.shape_cast %swap3A_1997 : vector<1x8x1024xf32> to vector<8x1024xf32>
    %swap3A_1999 = vector.shape_cast %add3A_1993 : vector<8x1024xf32> to vector<1x8x1024xf32>
    tpu.vector_store %arg5[%swap3A_1994, %swap3A_1995, %swap3A_1996], %swap3A_1999 {strides = array<i32>} : memref<1x128x4096xf32, #tpu.memory_space<vmem>>, vector<1x8x1024xf32>,
    %get3A_2000 = arith.constant 0 : index
    %get3A_2001 = arith.constant 56 : index
    %get3A_2002 = arith.constant 3072 : index
    %get3A_2003 = vector.load %arg3[%get3A_2000, %get3A_2001, %get3A_2002] : memref<1x128x4096xf32, #tpu.memory_space<vmem>>, vector<1x8x1024xf32>
    %get3A_2004 = vector.shape_cast %get3A_2003 : vector<1x8x1024xf32> to vector<8x1024xf32>
    %mul3A_2005 = vector.broadcast %mul3A_1891 : vector<1x1024xf32> to vector<8x1024xf32>
    %mul3A_2006 = arith.mulf %get3A_2004, %mul3A_2005 : vector<8x1024xf32>
    %add3A_2007 = vector.broadcast %mul3A_1894 : vector<1x1024xf32> to vector<8x1024xf32>
    %add3A_2008 = arith.addf %mul3A_2006, %add3A_2007 : vector<8x1024xf32>
    %swap3A_2009 = arith.constant 0 : index
    %swap3A_2010 = arith.constant 56 : index
    %swap3A_2011 = arith.constant 3072 : index
    %swap3A_2012 = vector.load %arg5[%swap3A_2009, %swap3A_2010, %swap3A_2011] : memref<1x128x4096xf32, #tpu.memory_space<vmem>>, vector<1x8x1024xf32>
    %swap3A_2013 = vector.shape_cast %swap3A_2012 : vector<1x8x1024xf32> to vector<8x1024xf32>
    %swap3A_2014 = vector.shape_cast %add3A_2008 : vector<8x1024xf32> to vector<1x8x1024xf32>
    tpu.vector_store %arg5[%swap3A_2009, %swap3A_2010, %swap3A_2011], %swap3A_2014 {strides = array<i32>} : memref<1x128x4096xf32, #tpu.memory_space<vmem>>, vector<1x8x1024xf32>,
    %get3A_2015 = arith.constant 0 : index
    %get3A_2016 = arith.constant 64 : index
    %get3A_2017 = arith.constant 3072 : index
    %get3A_2018 = vector.load %arg3[%get3A_2015, %get3A_2016, %get3A_2017] : memref<1x128x4096xf32, #tpu.memory_space<vmem>>, vector<1x8x1024xf32>
    %get3A_2019 = vector.shape_cast %get3A_2018 : vector<1x8x1024xf32> to vector<8x1024xf32>
    %mul3A_2020 = vector.broadcast %mul3A_1891 : vector<1x1024xf32> to vector<8x1024xf32>
    %mul3A_2021 = arith.mulf %get3A_2019, %mul3A_2020 : vector<8x1024xf32>
    %add3A_2022 = vector.broadcast %mul3A_1894 : vector<1x1024xf32> to vector<8x1024xf32>
    %add3A_2023 = arith.addf %mul3A_2021, %add3A_2022 : vector<8x1024xf32>
    %swap3A_2024 = arith.constant 0 : index
    %swap3A_2025 = arith.constant 64 : index
    %swap3A_2026 = arith.constant 3072 : index
    %swap3A_2027 = vector.load %arg5[%swap3A_2024, %swap3A_2025, %swap3A_2026] : memref<1x128x4096xf32, #tpu.memory_space<vmem>>, vector<1x8x1024xf32>
    %swap3A_2028 = vector.shape_cast %swap3A_2027 : vector<1x8x1024xf32> to vector<8x1024xf32>
    %swap3A_2029 = vector.shape_cast %add3A_2023 : vector<8x1024xf32> to vector<1x8x1024xf32>
    tpu.vector_store %arg5[%swap3A_2024, %swap3A_2025, %swap3A_2026], %swap3A_2029 {strides = array<i32>} : memref<1x128x4096xf32, #tpu.memory_space<vmem>>, vector<1x8x1024xf32>,
    %get3A_2030 = arith.constant 0 : index
    %get3A_2031 = arith.constant 72 : index
    %get3A_2032 = arith.constant 3072 : index
    %get3A_2033 = vector.load %arg3[%get3A_2030, %get3A_2031, %get3A_2032] : memref<1x128x4096xf32, #tpu.memory_space<vmem>>, vector<1x8x1024xf32>
    %get3A_2034 = vector.shape_cast %get3A_2033 : vector<1x8x1024xf32> to vector<8x1024xf32>
    %mul3A_2035 = vector.broadcast %mul3A_1891 : vector<1x1024xf32> to vector<8x1024xf32>
    %mul3A_2036 = arith.mulf %get3A_2034, %mul3A_2035 : vector<8x1024xf32>
    %add3A_2037 = vector.broadcast %mul3A_1894 : vector<1x1024xf32> to vector<8x1024xf32>
    %add3A_2038 = arith.addf %mul3A_2036, %add3A_2037 : vector<8x1024xf32>
    %swap3A_2039 = arith.constant 0 : index
    %swap3A_2040 = arith.constant 72 : index
    %swap3A_2041 = arith.constant 3072 : index
    %swap3A_2042 = vector.load %arg5[%swap3A_2039, %swap3A_2040, %swap3A_2041] : memref<1x128x4096xf32, #tpu.memory_space<vmem>>, vector<1x8x1024xf32>
    %swap3A_2043 = vector.shape_cast %swap3A_2042 : vector<1x8x1024xf32> to vector<8x1024xf32>
    %swap3A_2044 = vector.shape_cast %add3A_2038 : vector<8x1024xf32> to vector<1x8x1024xf32>
    tpu.vector_store %arg5[%swap3A_2039, %swap3A_2040, %swap3A_2041], %swap3A_2044 {strides = array<i32>} : memref<1x128x4096xf32, #tpu.memory_space<vmem>>, vector<1x8x1024xf32>,
    %get3A_2045 = arith.constant 0 : index
    %get3A_2046 = arith.constant 80 : index
    %get3A_2047 = arith.constant 3072 : index
    %get3A_2048 = vector.load %arg3[%get3A_2045, %get3A_2046, %get3A_2047] : memref<1x128x4096xf32, #tpu.memory_space<vmem>>, vector<1x8x1024xf32>
    %get3A_2049 = vector.shape_cast %get3A_2048 : vector<1x8x1024xf32> to vector<8x1024xf32>
    %mul3A_2050 = vector.broadcast %mul3A_1891 : vector<1x1024xf32> to vector<8x1024xf32>
    %mul3A_2051 = arith.mulf %get3A_2049, %mul3A_2050 : vector<8x1024xf32>
    %add3A_2052 = vector.broadcast %mul3A_1894 : vector<1x1024xf32> to vector<8x1024xf32>
    %add3A_2053 = arith.addf %mul3A_2051, %add3A_2052 : vector<8x1024xf32>
    %swap3A_2054 = arith.constant 0 : index
    %swap3A_2055 = arith.constant 80 : index
    %swap3A_2056 = arith.constant 3072 : index
    %swap3A_2057 = vector.load %arg5[%swap3A_2054, %swap3A_2055, %swap3A_2056] : memref<1x128x4096xf32, #tpu.memory_space<vmem>>, vector<1x8x1024xf32>
    %swap3A_2058 = vector.shape_cast %swap3A_2057 : vector<1x8x1024xf32> to vector<8x1024xf32>
    %swap3A_2059 = vector.shape_cast %add3A_2053 : vector<8x1024xf32> to vector<1x8x1024xf32>
    tpu.vector_store %arg5[%swap3A_2054, %swap3A_2055, %swap3A_2056], %swap3A_2059 {strides = array<i32>} : memref<1x128x4096xf32, #tpu.memory_space<vmem>>, vector<1x8x1024xf32>,
    %get3A_2060 = arith.constant 0 : index
    %get3A_2061 = arith.constant 88 : index
    %get3A_2062 = arith.constant 3072 : index
    %get3A_2063 = vector.load %arg3[%get3A_2060, %get3A_2061, %get3A_2062] : memref<1x128x4096xf32, #tpu.memory_space<vmem>>, vector<1x8x1024xf32>
    %get3A_2064 = vector.shape_cast %get3A_2063 : vector<1x8x1024xf32> to vector<8x1024xf32>
    %mul3A_2065 = vector.broadcast %mul3A_1891 : vector<1x1024xf32> to vector<8x1024xf32>
    %mul3A_2066 = arith.mulf %get3A_2064, %mul3A_2065 : vector<8x1024xf32>
    %add3A_2067 = vector.broadcast %mul3A_1894 : vector<1x1024xf32> to vector<8x1024xf32>
    %add3A_2068 = arith.addf %mul3A_2066, %add3A_2067 : vector<8x1024xf32>
    %swap3A_2069 = arith.constant 0 : index
    %swap3A_2070 = arith.constant 88 : index
    %swap3A_2071 = arith.constant 3072 : index
    %swap3A_2072 = vector.load %arg5[%swap3A_2069, %swap3A_2070, %swap3A_2071] : memref<1x128x4096xf32, #tpu.memory_space<vmem>>, vector<1x8x1024xf32>
    %swap3A_2073 = vector.shape_cast %swap3A_2072 : vector<1x8x1024xf32> to vector<8x1024xf32>
    %swap3A_2074 = vector.shape_cast %add3A_2068 : vector<8x1024xf32> to vector<1x8x1024xf32>
    tpu.vector_store %arg5[%swap3A_2069, %swap3A_2070, %swap3A_2071], %swap3A_2074 {strides = array<i32>} : memref<1x128x4096xf32, #tpu.memory_space<vmem>>, vector<1x8x1024xf32>,
    %get3A_2075 = arith.constant 0 : index
    %get3A_2076 = arith.constant 96 : index
    %get3A_2077 = arith.constant 3072 : index
    %get3A_2078 = vector.load %arg3[%get3A_2075, %get3A_2076, %get3A_2077] : memref<1x128x4096xf32, #tpu.memory_space<vmem>>, vector<1x8x1024xf32>
    %get3A_2079 = vector.shape_cast %get3A_2078 : vector<1x8x1024xf32> to vector<8x1024xf32>
    %mul3A_2080 = vector.broadcast %mul3A_1891 : vector<1x1024xf32> to vector<8x1024xf32>
    %mul3A_2081 = arith.mulf %get3A_2079, %mul3A_2080 : vector<8x1024xf32>
    %add3A_2082 = vector.broadcast %mul3A_1894 : vector<1x1024xf32> to vector<8x1024xf32>
    %add3A_2083 = arith.addf %mul3A_2081, %add3A_2082 : vector<8x1024xf32>
    %swap3A_2084 = arith.constant 0 : index
    %swap3A_2085 = arith.constant 96 : index
    %swap3A_2086 = arith.constant 3072 : index
    %swap3A_2087 = vector.load %arg5[%swap3A_2084, %swap3A_2085, %swap3A_2086] : memref<1x128x4096xf32, #tpu.memory_space<vmem>>, vector<1x8x1024xf32>
    %swap3A_2088 = vector.shape_cast %swap3A_2087 : vector<1x8x1024xf32> to vector<8x1024xf32>
    %swap3A_2089 = vector.shape_cast %add3A_2083 : vector<8x1024xf32> to vector<1x8x1024xf32>
    tpu.vector_store %arg5[%swap3A_2084, %swap3A_2085, %swap3A_2086], %swap3A_2089 {strides = array<i32>} : memref<1x128x4096xf32, #tpu.memory_space<vmem>>, vector<1x8x1024xf32>,
    %get3A_2090 = arith.constant 0 : index
    %get3A_2091 = arith.constant 104 : index
    %get3A_2092 = arith.constant 3072 : index
    %get3A_2093 = vector.load %arg3[%get3A_2090, %get3A_2091, %get3A_2092] : memref<1x128x4096xf32, #tpu.memory_space<vmem>>, vector<1x8x1024xf32>
    %get3A_2094 = vector.shape_cast %get3A_2093 : vector<1x8x1024xf32> to vector<8x1024xf32>
    %mul3A_2095 = vector.broadcast %mul3A_1891 : vector<1x1024xf32> to vector<8x1024xf32>
    %mul3A_2096 = arith.mulf %get3A_2094, %mul3A_2095 : vector<8x1024xf32>
    %add3A_2097 = vector.broadcast %mul3A_1894 : vector<1x1024xf32> to vector<8x1024xf32>
    %add3A_2098 = arith.addf %mul3A_2096, %add3A_2097 : vector<8x1024xf32>
    %swap3A_2099 = arith.constant 0 : index
    %swap3A_2100 = arith.constant 104 : index
    %swap3A_2101 = arith.constant 3072 : index
    %swap3A_2102 = vector.load %arg5[%swap3A_2099, %swap3A_2100, %swap3A_2101] : memref<1x128x4096xf32, #tpu.memory_space<vmem>>, vector<1x8x1024xf32>
    %swap3A_2103 = vector.shape_cast %swap3A_2102 : vector<1x8x1024xf32> to vector<8x1024xf32>
    %swap3A_2104 = vector.shape_cast %add3A_2098 : vector<8x1024xf32> to vector<1x8x1024xf32>
    tpu.vector_store %arg5[%swap3A_2099, %swap3A_2100, %swap3A_2101], %swap3A_2104 {strides = array<i32>} : memref<1x128x4096xf32, #tpu.memory_space<vmem>>, vector<1x8x1024xf32>,
    %get3A_2105 = arith.constant 0 : index
    %get3A_2106 = arith.constant 112 : index
    %get3A_2107 = arith.constant 3072 : index
    %get3A_2108 = vector.load %arg3[%get3A_2105, %get3A_2106, %get3A_2107] : memref<1x128x4096xf32, #tpu.memory_space<vmem>>, vector<1x8x1024xf32>
    %get3A_2109 = vector.shape_cast %get3A_2108 : vector<1x8x1024xf32> to vector<8x1024xf32>
    %mul3A_2110 = vector.broadcast %mul3A_1891 : vector<1x1024xf32> to vector<8x1024xf32>
    %mul3A_2111 = arith.mulf %get3A_2109, %mul3A_2110 : vector<8x1024xf32>
    %add3A_2112 = vector.broadcast %mul3A_1894 : vector<1x1024xf32> to vector<8x1024xf32>
    %add3A_2113 = arith.addf %mul3A_2111, %add3A_2112 : vector<8x1024xf32>
    %swap3A_2114 = arith.constant 0 : index
    %swap3A_2115 = arith.constant 112 : index
    %swap3A_2116 = arith.constant 3072 : index
    %swap3A_2117 = vector.load %arg5[%swap3A_2114, %swap3A_2115, %swap3A_2116] : memref<1x128x4096xf32, #tpu.memory_space<vmem>>, vector<1x8x1024xf32>
    %swap3A_2118 = vector.shape_cast %swap3A_2117 : vector<1x8x1024xf32> to vector<8x1024xf32>
    %swap3A_2119 = vector.shape_cast %add3A_2113 : vector<8x1024xf32> to vector<1x8x1024xf32>
    tpu.vector_store %arg5[%swap3A_2114, %swap3A_2115, %swap3A_2116], %swap3A_2119 {strides = array<i32>} : memref<1x128x4096xf32, #tpu.memory_space<vmem>>, vector<1x8x1024xf32>,
    %get3A_2120 = arith.constant 0 : index
    %get3A_2121 = arith.constant 120 : index
    %get3A_2122 = arith.constant 3072 : index
    %get3A_2123 = vector.load %arg3[%get3A_2120, %get3A_2121, %get3A_2122] : memref<1x128x4096xf32, #tpu.memory_space<vmem>>, vector<1x8x1024xf32>
    %get3A_2124 = vector.shape_cast %get3A_2123 : vector<1x8x1024xf32> to vector<8x1024xf32>
    %mul3A_2125 = vector.broadcast %mul3A_1891 : vector<1x1024xf32> to vector<8x1024xf32>
    %mul3A_2126 = arith.mulf %get3A_2124, %mul3A_2125 : vector<8x1024xf32>
    %add3A_2127 = vector.broadcast %mul3A_1894 : vector<1x1024xf32> to vector<8x1024xf32>
    %add3A_2128 = arith.addf %mul3A_2126, %add3A_2127 : vector<8x1024xf32>
    %swap3A_2129 = arith.constant 0 : index
    %swap3A_2130 = arith.constant 120 : index
    %swap3A_2131 = arith.constant 3072 : index
    %swap3A_2132 = vector.load %arg5[%swap3A_2129, %swap3A_2130, %swap3A_2131] : memref<1x128x4096xf32, #tpu.memory_space<vmem>>, vector<1x8x1024xf32>
    %swap3A_2133 = vector.shape_cast %swap3A_2132 : vector<1x8x1024xf32> to vector<8x1024xf32>
    %swap3A_2134 = vector.shape_cast %add3A_2128 : vector<8x1024xf32> to vector<1x8x1024xf32>
    tpu.vector_store %arg5[%swap3A_2129, %swap3A_2130, %swap3A_2131], %swap3A_2134 {strides = array<i32>} : memref<1x128x4096xf32, #tpu.memory_space<vmem>>, vector<1x8x1024xf32>,
    return
  }
  func.func @transform_0(%arg0: i32, %arg1: memref<64xi32, #tpu.memory_space<smem>>, %arg2: memref<64xi32, #tpu.memory_space<smem>>) -> (i32, i32, i32) {
    %get3A = arith.index_cast %arg0 : i32 to index
    %get3A_0 = memref.load %arg2[%get3A] : memref<64xi32, #tpu.memory_space<smem>>
    %c0_i32 = arith.constant 0 : i32
    %c0_i32_1 = arith.constant 0 : i32
    %c0_i32_2 = arith.constant 0 : i32
    return %get3A_0, %c0_i32, %c0_i32_1 : i32, i32, i32
  }
  func.func @transform_1(%arg0: i32, %arg1: memref<64xi32, #tpu.memory_space<smem>>, %arg2: memref<64xi32, #tpu.memory_space<smem>>) -> (i32, i32, i32) {
    %get3A = arith.index_cast %arg0 : i32 to index
    %get3A_0 = memref.load %arg1[%get3A] : memref<64xi32, #tpu.memory_space<smem>>
    %c0_i32 = arith.constant 0 : i32
    %c0_i32_1 = arith.constant 0 : i32
    %c0_i32_2 = arith.constant 0 : i32
    return %get3A_0, %c0_i32, %c0_i32_1 : i32, i32, i32
  }
  func.func @transform_2(%arg0: i32, %arg1: memref<64xi32, #tpu.memory_space<smem>>, %arg2: memref<64xi32, #tpu.memory_space<smem>>) -> (i32, i32, i32) {
    %get3A = arith.index_cast %arg0 : i32 to index
    %get3A_0 = memref.load %arg1[%get3A] : memref<64xi32, #tpu.memory_space<smem>>
    %c0_i32 = arith.constant 0 : i32
    %c0_i32_1 = arith.constant 0 : i32
    %c0_i32_2 = arith.constant 0 : i32
    return %get3A_0, %c0_i32, %c0_i32_1 : i32, i32, i32
  }
}

</mosaic_0001>

<sc_bundles>
// kernel: sparse-core-data-format-call.cloned.1.call-start
scs
called_computation_lowered:
.L_overlay_start_0:
0x0: {  	s2 =	sld [smem:$0x3FD9]  }
0x1: {  	s3 =	sld [smem:$0x3FFE];
	_ =	sdelay $0x1  }
0x2: {  	s1 =	srdreg.scid  }
0x3: {  	s0 =	sand.u32 $0x1, s1  }
0x4: {  	s18 =	sshll.u32 s0, $0xA;
	s2 =	sadd.s32 s3, s2  }
0x5: {  	s2 =	sadd.s32 s2, s18  }
0x6: {  	[smem:$0x3FC6] =	sst s2  }
0x7: {  	_ = 	snop  }
0x8: {  	s2 =	sld [smem:$0x3FD0];
	(tm) =	ssettm $0x1  }
0x9: {  	s19 =	sld [smem:$0x3FFB];
	_ =	sdelay $0x3  }
0xa: {  	_ =	strace s19  }
0xb: {  	s3 =	sld [smem:$0x3FFC];
	_ =	sdelay $0x3  }
0xc: {  	_ =	strace s3  }
0xd: {  	s3 =	sld [smem:$0x3FFD];
	_ =	sdelay $0x3  }
0xe: {  	_ =	strace s3  }
0xf: {  	_ =	strace $0x8FFFFFFF  }
0x10: {  	s20 =	sld [smem:$0x3FDB];
	_ =	sdelay $0x1  }
0x11: {  	s4 =	simm.s32 $_scs_section_size  }
0x12: {  	s5 =	simm.s32 $_size__tile_overlayer_lowered;
	s6 =	simm.s32 $_tile_overlayer_lowered  }
0x13: {  	s23 =	simm.s32 $0x1BFF;
	s22 =	sshll.u32 s6, $0x1;
	s3 =	sadd.s32 s4, s20  }
0x14: {  	s7 =	simm.s32 $0x0;
	s21 =	sshll.u32 s5, $0x1;
	s5 =	sadd.s32 s22, s3  }
0x15: {  	[timem:s7], [sflag:s23] =	dma.local [hbm:s5], s21  }
0x16: {  	_ =	swait.ge [sflag:s23], s21  }
0x17: {  	s4 =	ssub.s32 $0x0, s21;
	[sflag:s23] =	ssyncset.done $0x0  }
0x18: {  	[sflag:s23] =	ssyncadd.s32 s4;
	_ =	sdelay $0x1  }
0x19: {  	s24 =	simm.s32 $0x1B8B  }
0x1a: {  	_ =	swait.ge [sflag:s24], $0x1  }
0x1b: {  	[sflag:s24] =	ssyncset.done $0x0  }
0x1c: {  	s26 =	simm.s32 $0x1B8E;
	s25 =	sld [smem:$0x3FFE];
	[sflag:s24] =	ssyncadd.s32 $0xFFFFFFFF  }
0x1d: {  	s27 =	simm.s32 $execute0_lowered;
	[smem:$0x3FD2] =	sst s26  }
0x1e: {  	s5 =	sshll.u32 s27, $0x1;
	_ =	strace $0x80000046;
	[dreg:$0x1] =	wrdreg $0xFFFFFFFF  }
0x1f: {  	s28 =	simm.s32 $_size_execute0_lowered;
	s3 =	sadd.s32 s3, s5;
	[dreg:$0x0] =	wrdreg $0x0  }
0x20: {  	s5 =	sshll.u32 s28, $0x1;
	[dreg:$0x2] =	wrdreg s3  }
0x21: {  	[dreg:$0x3] =	wrdreg s5  }
0x22: {  	[dreg:$0x4] =	wrdreg $0xC0  }
0x23: {  	_ =	task [dreg:s7], $0x5FFFF  }
0x24: {  	[dreg:$0x1] =	wrdreg $0xFFFFFFFF  }
0x25: {  	[dreg:$0x0] =	wrdreg $0x60  }
0x26: {  	[dreg:$0x2] =	wrdreg s25  }
0x27: {  	[dreg:$0x3] =	wrdreg s2  }
0x28: {  	[dreg:$0x4] =	wrdreg $0x9  }
0x29: {  	_ =	task.clear_ibuf [dreg:s7], $0x5FFFF;
	_ =	strace $0x90000046  }
0x2a: {  	s29 =	simm.s32 $0x9;
	_ =	strace $0x80000048  }
0x2b: {  	_ =	swait.ge [sflag:s29], $0x1  }
0x2c: {  	[sflag:s29] =	ssyncadd.s32 $0xFFFFFFFF  }
0x2d: {  	_ =	strace $0x90000048  }
0x2e: {  	_ =	sfence  }
0x2f: {  	s30 =	sld [smem:$0x0];
	_ =	sdelay $0x2  }
0x30: {  	s31 =	sshll.u32 s1, $0xD;
	s1 =	sshrl.u32 s1, $0x2  }
0x31: {  	s3 =	sand.u32 $0x4000, s31;
	s1 =	sadd.s32 s1, s30  }
0x32: {  	s0 =	sor.u32 s3, s0;
	s1 =	sshll.u32 s1, $0x11  }
0x33: {  	s0 =	sor.u32 s1, s0  }
0x34: {  	s0 =	sadd.s32 $0x8F2B, s0  }
0x35: {  	[sflag:s0] =	ssyncadd.remote.s32 $0x1  }
0x36: {  	_ =	sfence.sel $0xFFFF  }
0x37: {  	[dreg:$0x0] =	wrdreg $0xFFFFFFFF;
	(pc) =	sbr.abs _section_cstart, $3  }
0x38: {  	[dreg:$0x1] =	wrdreg $0xFFFFFFFF  }
0x39: {  	_ =	task.clear_ibuf [dreg:s7], $0x2FFFF;
	_ =	strace $0x9FFFFFFF  }
0x3a: {  	(tm) =	ssettm $0x7FFFFFFF  }
0x3b: {  	_ =	shalt  }
tec
execute0_lowered:
.L_overlay_start_1:
0x0: {  	(tag) =	ssettag $0x1  }
0x1: {  	s2 =	rddreg [dreg:$0x0]  }
0x2: {  	s3 =	rddreg [dreg:$0x1]  }
0x3: {  	s0 =	rddreg [dreg:$0x2];
	_ =	strace $0x80000047  }
0x4: {  	s4 =	srdreg.scid;
	s1 =	stileid.u32;
	s6 =	simm.s32 $0x2  }
.Ltmp0:
0x5: {  	s12 =	simm.s32 $0x0;
	p0 =	por $0x0, $0x0;
	(pc) =	sbr.rel .LBB1_1-.Ltmp0, $4  }
0x6: {  	s10 =	simm.s32 $0x0;
	s11 =	simm.s32 $0x0;
	s5 =	sshll.u32 s4, $0x4  }
0x7: {  	s7 =	simm.s32 $0x0;
	s4 =	simm.s32 $0x1;
	s5 =	sand.u32 $0x10, s5  }
0x8: {  	s8 =	simm.s32 $0x0;
	[sflag:s4] =	ssyncpa.u1 $0x0;
	s5 =	sor.u32 s1, s5  }
0x9: {  	[sflag:s6] =	ssyncpa.u1 $0x0;
	s6 =	simm.s32 $0x0;
	s9 =	smov.u32 s5  }
.LBB1_5:
0xa: {  	s13 =	sadd.s32 $0x80, s7  }
0xb: {  	s10 =	sadd.s32 $0x80, s8;
	s14 =	smov.u32 s8;
	p2 =	sgt.s32 s13, $0xFFF  }
0xc: {  	s14 =	smov.u32 @p2 s10  }
0xd: {  	s16 =	smov.u32 s9;
	s10 =	sadd.s32 $0x20, s9;
	p3 =	sgt.s32 s14, $0x7F  }
0xe: {  	p1 =	slt.u32 s6, $0x2;
	s16 =	smov.u32 @p3 s10  }
0xf: {  	s6 =	sadd.s32 $0x1, s6;
	s13 =	simm.s32 @p2 $0x0;
	p2 =	sgt.s32 s16, $0x3F  }
0x10: {  	s16 =	smov.u32 @p2 s5;
	p2 =	sne.s32 s6, $0x42  }
.Ltmp1:
0x11: {  	s15 =	simm.s32 @!p1 $0x2;
	(pc) =	sbr.rel @!p2 .LBB1_6-.Ltmp1, $4  }
0x12: {  	s12 =	smov.u32 s7;
	_ =	swait.ge @!p1 [sflag:s15], $0x4000  }
0x13: {  	s11 =	smov.u32 s9;
	p0 =	por !p0, !p0;
	[sflag:s15] =	ssyncset.done @!p1 $0x0  }
0x14: {  	s7 =	smov.u32 s13;
	s14 =	simm.s32 @p3 $0x0;
	s10 =	smov.u32 s8  }
0x15: {  	[sflag:s15] =	ssyncadd.s32 @!p1 $0xFFFFC000;
	s8 =	smov.u32 s14;
	s9 =	smov.u32 s16  }
.LBB1_1:
0x16: {  	p1 =	sgt.u32 s6, $0x3F  }
0x17: {  	s13 =	sxor.u32 @!p1 $0xFFFFFFFF, s6;
	s14 =	sand.u32 @!p1 $0x78, s7;
	s15 =	sshll.u32 @!p1 s8, $0xC  }
0x18: {  	s16 =	sshll.u32 @!p1 s8, $0x7;
	s17 =	sshll.u32 @!p1 s7, $0x3;
	s13 =	sshll.u32 @!p1 s13, $0xE  }
0x19: {  	s15 =	sand.u32 @!p1 $0x78000, s15;
	s16 =	sand.u32 @!p1 $0x380, s16;
	s13 =	sand.u32 @!p1 $0x4000, s13  }
0x1a: {  	s15 =	sadd.s32 @!p1 s15, s17;
	s17 =	sand.u32 @!p1 $0xC00, s17;
	s14 =	sor.u32 @!p1 s16, s14  }
0x1b: {  	s16 =	sshll.u32 @!p1 s9, $0x10;
	s14 =	sor.u32 @!p1 s17, s14;
	s15 =	sshrl.u32 @!p1 s15, $0x3  }
0x1c: {  	s16 =	sadd.s32 @!p1 s2, s16;
	s17 =	sand.u32 @!p1 $0x7, s7;
	s15 =	sand.u32 @!p1 $0xFE00, s15  }
0x1d: {  	s14 =	sshrl.u32 @!p1 s14, $0x3;
	s15 =	sadd.s32 @!p1 s15, s16;
	s16 =	sshll.u32 @!p1 s17, $0x12  }
0x1e: {  	s14 =	sadd.s32 @!p1 s14, s15;
	s15 =	sor.u32 @!p1 $0x400, s16;
	s16 =	simm.s32 @!p1 $0x8000  }
0x1f: {  	[tilespmem:s13], [sflag:$0x1] =	stream.strided.gather @!p1 [hbm4b:s14+s15], $0x4000, s16, s15, $0x38;
	[tilespmem:$0x10100] =	vst v63  }
0x20: {  	p1 =	seq.s32 s6, $0x0  }
0x21: {  	p2 =	seq.s32 @!p1 s6, $0x41  }
0x22: {  	p1 =	por p1, p2  }
.Ltmp2:
0x23: {  	_ = 	snop;
	(pc) =	sbr.rel @p1 .LBB1_5-.Ltmp2, $1  }
0x24: {  	_ =	sdelay $0x3  }
0x25: {  	s13 =	simm.s32 $0x1  }
0x26: {  	_ =	swait.ge [sflag:s4], $0x4000;
	s13 =	simm.s32 @!p0 $0x0  }
0x27: {  	[sflag:s4] =	ssyncset.done $0x0;
	s14 =	sshll.u32 s13, $0xE  }
0x28: {  	[sflag:s4] =	ssyncadd.s32 $0xFFFFC000;
	s16 =	sor.u32 $0x40, s14  }
0x29: {  	s13 =	smul.u32 $0x10200, s13;
	v0 =	vld [tilespmem:s16+$0x30]  }
0x2a: {  	v3 =	vld [tilespmem:s16+$0xFFFFFFD0]  }
0x2b: {  	s13 =	sshrl.u32 s13, $0x2;
	v4 =	vld [tilespmem:s16+$0xFFFFFFE0]  }
0x2c: {  	v5 =	vld [tilespmem:s16+$0xFFFFFFF0];
	s14 =	sor.u32 $0x8000, s13  }
0x2d: {  	s31 =	sand.u32 $0x1, s6;
	v1 =	vld [tilespmem:s16+$0x0];
	s15 =	sadd.s32 $0x0, s14  }
0x2e: {  	v2 =	vld [tilespmem:s16+$0x10];
	s13 =	smul.u32 $0x10200, s31;
	[tilespmem:s15+$0x3870 ss:$0x81] =	vst.msk $0xffff, v0  }
0x2f: {  	[tilespmem:s15+$0x810 ss:$0x81] =	vst.msk $0xffff, v3;
	v3 =	vld [tilespmem:s16+$0x20]  }
0x30: {  	s13 =	sshrl.u32 s13, $0x2;
	v0 =	vld [tilespmem:s16+$0xFFFFFFC0];
	[tilespmem:s15+$0x1020 ss:$0x81] =	vst.msk $0xffff, v4;
	s16 =	sadd.s32 $0x80, s16  }
0x31: {  	s17 =	simm.s32 $0x4;
	s18 =	simm.s32 $0x8;
	s13 =	sor.u32 $0x8000, s13;
	[tilespmem:s15+$0x1830 ss:$0x81] =	vst.msk $0xffff, v5;
	v4 =	vld [tilespmem:s16+$0x30]  }
.LBB1_3:
0x32: {  	p1 =	sne.s32 s18, $0x1FC;
	v5 =	vld [tilespmem:s16+$0xFFFFFFD0];
	[tilespmem:s15+$0x2040 ss:$0x81] =	vst.msk $0xffff, v1  }
0x33: {  	v6 =	vld [tilespmem:s16+$0xFFFFFFE0];
	[tilespmem:s15+$0x2850 ss:$0x81] =	vst.msk $0xffff, v2  }
0x34: {  	s19 =	sshra.s32 s17, $0x2;
	s17 =	smov.u32 s18;
	v7 =	vld [tilespmem:s16+$0xFFFFFFF0];
	[tilespmem:s15+$0x3060 ss:$0x81] =	vst.msk $0xffff, v3  }
.Ltmp3:
0x35: {  	v1 =	vld [tilespmem:s16+$0x0];
	[tilespmem:s15+$0x0 ss:$0x81] =	vst.msk $0xffff, v0;
	s15 =	sadd.s32 s19, s14;
	(pc) =	sbr.rel @p1 .LBB1_3-.Ltmp3, $4  }
0x36: {  	v2 =	vld [tilespmem:s16+$0x10];
	[tilespmem:s15+$0x3870 ss:$0x81] =	vst.msk $0xffff, v4  }
0x37: {  	[tilespmem:s15+$0x810 ss:$0x81] =	vst.msk $0xffff, v5;
	v3 =	vld [tilespmem:s16+$0x20]  }
0x38: {  	v0 =	vld [tilespmem:s16+$0xFFFFFFC0];
	[tilespmem:s15+$0x1020 ss:$0x81] =	vst.msk $0xffff, v6;
	s16 =	sadd.s32 $0x80, s16  }
0x39: {  	s18 =	sadd.s32 $0x4, s18;
	v4 =	vld [tilespmem:s16+$0x30];
	[tilespmem:s15+$0x1830 ss:$0x81] =	vst.msk $0xffff, v7  }
0x3a: {  	v5 =	vld [tilespmem:s16+$0xFFFFFFD0];
	[tilespmem:s15+$0x2040 ss:$0x81] =	vst.msk $0xffff, v1  }
0x3b: {  	v58 =	vld [tilespmem:s16+$0xFFFFFFE0];
	[tilespmem:s15+$0x2850 ss:$0x81] =	vst.msk $0xffff, v2  }
0x3c: {  	s17 =	sshra.s32 s17, $0x2;
	v59 =	vld [tilespmem:s16+$0xFFFFFFF0];
	[tilespmem:s15+$0x3060 ss:$0x81] =	vst.msk $0xffff, v3  }
0x3d: {  	v60 =	vld [tilespmem:s16+$0x0];
	s14 =	sadd.s32 s17, s14;
	[tilespmem:s15+$0x0 ss:$0x81] =	vst.msk $0xffff, v0  }
0x3e: {  	v61 =	vld [tilespmem:s16+$0x10];
	[tilespmem:s14+$0x3870 ss:$0x81] =	vst.msk $0xffff, v4  }
0x3f: {  	v62 =	vld [tilespmem:s16+$0x20];
	s12 =	sshll.u32 s12, $0x7;
	s28 =	sshll.u32 s10, $0x3;
	[tilespmem:s14+$0x810 ss:$0x81] =	vst.msk $0xffff, v5  }
0x40: {  	v63 =	vld [tilespmem:s16+$0xFFFFFFC0];
	s29 =	sand.u32 $0x7FC00, s12;
	s15 =	sand.u32 $0x7FC00, s28;
	[tilespmem:s14+$0x1020 ss:$0x81] =	vst.msk $0xffff, v58  }
0x41: {  	s11 =	sshll.u32 s11, $0x10;
	s12 =	sand.u32 $0x380, s12;
	s15 =	sadd.s32 s15, s29;
	[tilespmem:s14+$0x1830 ss:$0x81] =	vst.msk $0xffff, v59  }
.Ltmp4:
0x42: {  	s30 =	sshrl.u32 s10, $0x3;
	[tilespmem:s14+$0x2040 ss:$0x81] =	vst.msk $0xffff, v60;
	s12 =	sor.u32 s12, s15;
	(pc) =	sbr.rel .LBB1_5-.Ltmp4, $4  }
0x43: {  	s11 =	sadd.s32 s3, s11;
	[tilespmem:s14+$0x2850 ss:$0x81] =	vst.msk $0xffff, v61;
	s15 =	sand.u32 $0xF, s30;
	s12 =	sshrl.u32 s12, $0x3  }
0x44: {  	[tilespmem:s14+$0x3060 ss:$0x81] =	vst.msk $0xffff, v62;
	s11 =	sadd.s32 s15, s11;
	s12 =	sand.u32 $0xFFF0, s12  }
0x45: {  	s31 =	sand.u32 $0x7, s10;
	[tilespmem:s14+$0x0 ss:$0x81] =	vst.msk $0xffff, v63;
	s11 =	sadd.s32 s12, s11  }
0x46: {  	[hbm4b:s11+s31] =	stream.linear.scatter [tilespmem:s13], [sflag:$0x2], $0x4000, $0x20;
	[tilespmem:$0x10100] =	vst v63  }
.LBB1_6:
0x47: {  	_ =	sfence.sel $0x180000  }
0x48: {  	s2 =	simm.s32 $0x1;
	[bflag:$0x0] =	sbarrier.arrive $0xFFFF  }
0x49: {  	s31 =	simm.s32 $0x2;
	[sflag:s2] =	ssyncpa.u1 $0x1  }
0x4a: {  	[sflag:s31] =	ssyncpa.u1 $0x1  }
0x4b: {  	p0 =	sne.s32 s1, $0x0;
	_ =	strace $0x90000047  }
0x4c: {  	s0 =	sadd.s32 @!p0 $0x100000, s0;
	[bflag:$0x2] =	sbarrier.arrive $0xFFFF  }
0x4d: {  	[sflag:s0] =	ssyncadd.tile.s32 @!p0 $0x1;
	_ =	shalt  }
.Lfunc_end1:
_tile_overlayer_lowered:
.L_overlay_start_2:
0x4e: {  	(tag) =	ssettag $0x2  }
0x4f: {  	s0 =	rddreg [dreg:$0x0];
	s2 =	stileid.u32  }
0x50: {  	s1 =	rddreg [dreg:$0x1];
	p0 =	sne.s32 s2, $0x0  }
0x51: {  	s3 =	rddreg [dreg:$0x2];
	[bflag:$0x3] =	sbarrier.arrive $0xFFFF;
	s2 =	simm.s32 @!p0 $0x1C01  }
0x52: {  	[timem:s3], [sflag:s2] =	dma.local @!p0 [hbm:s0], s1  }
0x53: {  	s0 =	simm.s32 @!p0 $0x1  }
0x54: {  	_ =	swait.ge @!p0 [sflag:s0], s1  }
0x55: {  	s1 =	ssub.s32 @!p0 $0x0, s1;
	[sflag:s0] =	ssyncset.done @!p0 $0x0  }
0x56: {  	[sflag:s0] =	ssyncadd.s32 @!p0 s1  }
0x57: {  	[bflag:$0x3] =	sbarrier.arrive $0xFFFF  }
0x58: {  	_ =	shalt  }

</sc_bundles>
